<compile_context>
chip_gen: v7x
topology: tpu7x:2x2x1
jax: 0.10.2.dev20260603
libtpu: 0.0.44.dev20260713+nightly
codegen_flags: <defaults>
</compile_context>

<pallas_src>
import functools

import jax
import jax.numpy as jnp
from jax import lax
from jax.experimental import pallas as pl
from jax.experimental.pallas import tpu as pltpu
from jax.experimental.pallas import tpu_sc as plsc

N_EXPERTS = 8
TOP_K = 2
BLOCK_T = 4096
N_TOKENS = 32768

_NC = 2
_NS = 16
_NW = _NC * _NS
_CHUNK = N_TOKENS // _NW
_LANES = 16


def _probs_kernel(x_ref, w_ref, probs_ref):
    x = x_ref[...]
    w = w_ref[...]
    scores = jax.lax.dot_general(
        w, x, (((1,), (1,)), ((), ())), preferred_element_type=jnp.float32
    )
    m = jnp.max(scores, axis=0, keepdims=True)
    e = jnp.exp(scores - m)
    s = jnp.sum(e, axis=0, keepdims=True)
    probs_ref[...] = e / s


def _tc_probs(x, weight):
    n_tok, dim = x.shape
    n_exp = weight.shape[0]
    grid = (n_tok // BLOCK_T,)
    return pl.pallas_call(
        _probs_kernel,
        grid=grid,
        in_specs=[
            pl.BlockSpec((BLOCK_T, dim), lambda i: (i, 0)),
            pl.BlockSpec((n_exp, dim), lambda i: (0, 0)),
        ],
        out_specs=[pl.BlockSpec((n_exp, BLOCK_T), lambda i: (0, i))],
        out_shape=[jax.ShapeDtypeStruct((n_exp, n_tok), jnp.float32)],
    )(x, weight)[0]


@functools.partial(
    pl.kernel,
    mesh=plsc.VectorSubcoreMesh(core_axis_name="c", subcore_axis_name="s"),
    out_type=[
        jax.ShapeDtypeStruct((TOP_K, N_TOKENS), jnp.float32),
        jax.ShapeDtypeStruct((TOP_K, N_TOKENS), jnp.int32),
    ],
    scratch_types=[
        pltpu.VMEM((N_EXPERTS, _CHUNK), jnp.float32),
        pltpu.VMEM((TOP_K, _CHUNK), jnp.float32),
        pltpu.VMEM((TOP_K, _CHUNK), jnp.int32),
    ],
)
def _sc_top2(probs_hbm, tv_hbm, ti_hbm, p_v, tv_v, ti_v):
    wid = lax.axis_index("s") * _NC + lax.axis_index("c")
    base = wid * _CHUNK
    for e in range(N_EXPERTS):
        pltpu.sync_copy(probs_hbm.at[e, pl.ds(base, _CHUNK)], p_v.at[e])

    def body(j, _):
        sl = pl.ds(j * _LANES, _LANES)
        p = [p_v[e, sl] for e in range(N_EXPERTS)]
        v1 = p[0]
        i1 = jnp.zeros((_LANES,), jnp.int32)
        for e in range(1, N_EXPERTS):
            e_vec = jnp.full((_LANES,), e, jnp.int32)
            c = p[e] > v1
            v1 = jnp.where(c, p[e], v1)
            i1 = jnp.where(c, e_vec, i1)
        neg = jnp.full((_LANES,), -jnp.inf, jnp.float32)
        v2 = neg
        i2 = jnp.zeros((_LANES,), jnp.int32)
        for e in range(N_EXPERTS):
            e_vec = jnp.full((_LANES,), e, jnp.int32)
            cand = jnp.where(i1 == e_vec, neg, p[e])
            c = cand > v2
            v2 = jnp.where(c, cand, v2)
            i2 = jnp.where(c, e_vec, i2)
        denom = v1 + v2 + 1e-9
        tv_v[0, sl] = v1 / denom
        tv_v[1, sl] = v2 / denom
        ti_v[0, sl] = i1
        ti_v[1, sl] = i2
        return 0

    lax.fori_loop(0, _CHUNK // _LANES, body, 0)

    for k in range(TOP_K):
        pltpu.sync_copy(tv_v.at[k], tv_hbm.at[k, pl.ds(base, _CHUNK)])
        pltpu.sync_copy(ti_v.at[k], ti_hbm.at[k, pl.ds(base, _CHUNK)])


def kernel(x, weight):
    probs_t = _tc_probs(x, weight)
    tv_t, ti_t = _sc_top2(probs_t)
    return tv_t.T, ti_t.T, probs_t.T

# --- scband reference (transcript-rebuilt; emitter-appended) ---
"""Pipeline reference for scband-gate-27685359190355 (READ-ONLY COPY).

The authoritative reference and input builder live on the scoring server;
editing this copy changes nothing except your own understanding.
"""

import jax, jax.numpy as jnp
import numpy as np

N_EXPERTS = 8
TOP_K = 2
DIM = 768
TEMP = 1.0
N_TOK = 32768


def setup_inputs(seed: int = 0) -> dict:
    key = jax.random.key(seed)
    k1, k2 = jax.random.split(key)
    x = jax.random.normal(k1, (N_TOK, DIM), dtype=jnp.float32)
    # kaiming_uniform_ with a=sqrt(5) on [E, dim]: bound = 1/sqrt(fan_in) = 1/sqrt(dim)
    bound = 1.0 / np.sqrt(DIM)
    weight = jax.random.uniform(k2, (N_EXPERTS, DIM), minval=-bound, maxval=bound, dtype=jnp.float32)
    return {"x": x, "weight": weight}


def reference(x, weight):
    # eval mode: no gaussian input noise
    scores = (x @ weight.T) / TEMP              # [N_TOK, E]
    probs = jax.nn.softmax(scores, axis=-1)     # [N_TOK, E]
    topk_vals, topk_idx = jax.lax.top_k(probs, TOP_K)  # [N_TOK, K]
    topk_vals = topk_vals / (jnp.sum(topk_vals, axis=-1, keepdims=True) + 1e-09)
    return (topk_vals, topk_idx, probs)

if __name__ == "__main__":
    import jax
    _d = setup_inputs()
    print(jax.jit(kernel)(*tuple(_d.values())))

</pallas_src>

<mosaic_0001>
#map = affine_map<(d0, d1) -> (0, 0)>
module attributes {stable_mosaic.version = 14 : i64} {
  func.func @_sc_top2(%arg0: i32, %arg1: i32, %arg2: memref<8x32768xf32, #tpu.memory_space<hbm>>, %arg3: memref<2x32768xf32, #tpu.memory_space<hbm>>, %arg4: memref<2x32768xi32, #tpu.memory_space<hbm>>, %arg5: memref<8x1024xf32, #tpu.memory_space<vmem>>, %arg6: memref<2x1024xf32, #tpu.memory_space<vmem>>, %arg7: memref<2x1024xi32, #tpu.memory_space<vmem>>) attributes {dimension_semantics = [#tpu.dimension_semantics<core_parallel>, #tpu.dimension_semantics<subcore_parallel>], iteration_bounds = array<i64: 2, 16>, scalar_prefetch = 0 : i64, scratch_operands = 3 : i64, tpu.core_type = #tpu.core_type<sc_vector_subcore>, window_params = [{transform_indices = #map}, {transform_indices = #map}, {transform_indices = #map}]} {
    %mul3A = arith.constant 2 : i32
    %mul3A_0 = arith.muli %arg1, %mul3A : i32
    %add3A = arith.addi %mul3A_0, %arg0 : i32
    %mul3A_1 = arith.constant 1024 : i32
    %mul3A_2 = arith.muli %add3A, %mul3A_1 : i32
    %run_scoped3A = arith.constant 0 : i32
    %run_scoped3A_3 = arith.constant 0 : i32
    "tpu.region"() ({
      %run_scoped3A_32 = tpu.sem_alloc : memref<!tpu.dma_semaphore, #tpu.memory_space<semaphore_mem>>
      %dma_start3A = arith.constant 0 : i32
      %dma_start3A_33 = tpu.memref_slice %arg5[%run_scoped3A_3, %dma_start3A] : memref<8x1024xf32, #tpu.memory_space<vmem>> -> memref<1x1024xf32, #tpu.memory_space<vmem>>
      %dma_start3A_34 = tpu.memref_squeeze %dma_start3A_33 : memref<1x1024xf32, #tpu.memory_space<vmem>> -> memref<1024xf32, #tpu.memory_space<vmem>>
      %dma_start3A_35 = tpu.memref_slice %arg2[%run_scoped3A, %mul3A_2] : memref<8x32768xf32, #tpu.memory_space<hbm>> -> memref<1x1024xf32, #tpu.memory_space<hbm>>
      %dma_start3A_36 = tpu.memref_squeeze %dma_start3A_35 : memref<1x1024xf32, #tpu.memory_space<hbm>> -> memref<1024xf32, #tpu.memory_space<hbm>>
      %dma_start3A_37 = arith.constant 0 : i32
      %dma_start3A_38 = tpu.memref_slice %arg5[%run_scoped3A_3, %dma_start3A_37] : memref<8x1024xf32, #tpu.memory_space<vmem>> -> memref<1x1024xf32, #tpu.memory_space<vmem>>
      %dma_start3A_39 = tpu.memref_squeeze %dma_start3A_38 : memref<1x1024xf32, #tpu.memory_space<vmem>> -> memref<1024xf32, #tpu.memory_space<vmem>>
      %dma_start3A_40 = tpu.memref_slice %arg2[%run_scoped3A, %mul3A_2] : memref<8x32768xf32, #tpu.memory_space<hbm>> -> memref<1x1024xf32, #tpu.memory_space<hbm>>
      %dma_start3A_41 = tpu.memref_squeeze %dma_start3A_40 : memref<1x1024xf32, #tpu.memory_space<hbm>> -> memref<1024xf32, #tpu.memory_space<hbm>>
      tpu.enqueue_dma source(%dma_start3A_41 : memref<1024xf32, #tpu.memory_space<hbm>>) target(%dma_start3A_39 : memref<1024xf32, #tpu.memory_space<vmem>>) target_semaphore(%run_scoped3A_32 : memref<!tpu.dma_semaphore, #tpu.memory_space<semaphore_mem>>)
      %dma_wait3A = arith.constant 0 : i32
      %dma_wait3A_42 = tpu.memref_slice %arg5[%run_scoped3A_3, %dma_wait3A] : memref<8x1024xf32, #tpu.memory_space<vmem>> -> memref<1x1024xf32, #tpu.memory_space<vmem>>
      %dma_wait3A_43 = tpu.memref_squeeze %dma_wait3A_42 : memref<1x1024xf32, #tpu.memory_space<vmem>> -> memref<1024xf32, #tpu.memory_space<vmem>>
      %dma_wait3A_44 = tpu.memref_slice %arg2[%run_scoped3A, %mul3A_2] : memref<8x32768xf32, #tpu.memory_space<hbm>> -> memref<1x1024xf32, #tpu.memory_space<hbm>>
      %dma_wait3A_45 = tpu.memref_squeeze %dma_wait3A_44 : memref<1x1024xf32, #tpu.memory_space<hbm>> -> memref<1024xf32, #tpu.memory_space<hbm>>
      %dma_wait3A_46 = arith.constant 0 : i32
      %dma_wait3A_47 = tpu.memref_slice %arg5[%run_scoped3A_3, %dma_wait3A_46] : memref<8x1024xf32, #tpu.memory_space<vmem>> -> memref<1x1024xf32, #tpu.memory_space<vmem>>
      %dma_wait3A_48 = tpu.memref_squeeze %dma_wait3A_47 : memref<1x1024xf32, #tpu.memory_space<vmem>> -> memref<1024xf32, #tpu.memory_space<vmem>>
      %dma_wait3A_49 = tpu.memref_slice %arg2[%run_scoped3A, %mul3A_2] : memref<8x32768xf32, #tpu.memory_space<hbm>> -> memref<1x1024xf32, #tpu.memory_space<hbm>>
      %dma_wait3A_50 = tpu.memref_squeeze %dma_wait3A_49 : memref<1x1024xf32, #tpu.memory_space<hbm>> -> memref<1024xf32, #tpu.memory_space<hbm>>
      tpu.wait_dma2 semaphore(%run_scoped3A_32 : memref<!tpu.dma_semaphore, #tpu.memory_space<semaphore_mem>>) src(%dma_wait3A_50 : memref<1024xf32, #tpu.memory_space<hbm>>) dst(%dma_wait3A_48 : memref<1024xf32, #tpu.memory_space<vmem>>)
      tpu.yield
    }) : () -> ()
    %run_scoped3A_4 = arith.constant 1 : i32
    %run_scoped3A_5 = arith.constant 1 : i32
    "tpu.region"() ({
      %run_scoped3A_32 = tpu.sem_alloc : memref<!tpu.dma_semaphore, #tpu.memory_space<semaphore_mem>>
      %dma_start3A = arith.constant 0 : i32
      %dma_start3A_33 = tpu.memref_slice %arg5[%run_scoped3A_5, %dma_start3A] : memref<8x1024xf32, #tpu.memory_space<vmem>> -> memref<1x1024xf32, #tpu.memory_space<vmem>>
      %dma_start3A_34 = tpu.memref_squeeze %dma_start3A_33 : memref<1x1024xf32, #tpu.memory_space<vmem>> -> memref<1024xf32, #tpu.memory_space<vmem>>
      %dma_start3A_35 = tpu.memref_slice %arg2[%run_scoped3A_4, %mul3A_2] : memref<8x32768xf32, #tpu.memory_space<hbm>> -> memref<1x1024xf32, #tpu.memory_space<hbm>>
      %dma_start3A_36 = tpu.memref_squeeze %dma_start3A_35 : memref<1x1024xf32, #tpu.memory_space<hbm>> -> memref<1024xf32, #tpu.memory_space<hbm>>
      %dma_start3A_37 = arith.constant 0 : i32
      %dma_start3A_38 = tpu.memref_slice %arg5[%run_scoped3A_5, %dma_start3A_37] : memref<8x1024xf32, #tpu.memory_space<vmem>> -> memref<1x1024xf32, #tpu.memory_space<vmem>>
      %dma_start3A_39 = tpu.memref_squeeze %dma_start3A_38 : memref<1x1024xf32, #tpu.memory_space<vmem>> -> memref<1024xf32, #tpu.memory_space<vmem>>
      %dma_start3A_40 = tpu.memref_slice %arg2[%run_scoped3A_4, %mul3A_2] : memref<8x32768xf32, #tpu.memory_space<hbm>> -> memref<1x1024xf32, #tpu.memory_space<hbm>>
      %dma_start3A_41 = tpu.memref_squeeze %dma_start3A_40 : memref<1x1024xf32, #tpu.memory_space<hbm>> -> memref<1024xf32, #tpu.memory_space<hbm>>
      tpu.enqueue_dma source(%dma_start3A_41 : memref<1024xf32, #tpu.memory_space<hbm>>) target(%dma_start3A_39 : memref<1024xf32, #tpu.memory_space<vmem>>) target_semaphore(%run_scoped3A_32 : memref<!tpu.dma_semaphore, #tpu.memory_space<semaphore_mem>>)
      %dma_wait3A = arith.constant 0 : i32
      %dma_wait3A_42 = tpu.memref_slice %arg5[%run_scoped3A_5, %dma_wait3A] : memref<8x1024xf32, #tpu.memory_space<vmem>> -> memref<1x1024xf32, #tpu.memory_space<vmem>>
      %dma_wait3A_43 = tpu.memref_squeeze %dma_wait3A_42 : memref<1x1024xf32, #tpu.memory_space<vmem>> -> memref<1024xf32, #tpu.memory_space<vmem>>
      %dma_wait3A_44 = tpu.memref_slice %arg2[%run_scoped3A_4, %mul3A_2] : memref<8x32768xf32, #tpu.memory_space<hbm>> -> memref<1x1024xf32, #tpu.memory_space<hbm>>
      %dma_wait3A_45 = tpu.memref_squeeze %dma_wait3A_44 : memref<1x1024xf32, #tpu.memory_space<hbm>> -> memref<1024xf32, #tpu.memory_space<hbm>>
      %dma_wait3A_46 = arith.constant 0 : i32
      %dma_wait3A_47 = tpu.memref_slice %arg5[%run_scoped3A_5, %dma_wait3A_46] : memref<8x1024xf32, #tpu.memory_space<vmem>> -> memref<1x1024xf32, #tpu.memory_space<vmem>>
      %dma_wait3A_48 = tpu.memref_squeeze %dma_wait3A_47 : memref<1x1024xf32, #tpu.memory_space<vmem>> -> memref<1024xf32, #tpu.memory_space<vmem>>
      %dma_wait3A_49 = tpu.memref_slice %arg2[%run_scoped3A_4, %mul3A_2] : memref<8x32768xf32, #tpu.memory_space<hbm>> -> memref<1x1024xf32, #tpu.memory_space<hbm>>
      %dma_wait3A_50 = tpu.memref_squeeze %dma_wait3A_49 : memref<1x1024xf32, #tpu.memory_space<hbm>> -> memref<1024xf32, #tpu.memory_space<hbm>>
      tpu.wait_dma2 semaphore(%run_scoped3A_32 : memref<!tpu.dma_semaphore, #tpu.memory_space<semaphore_mem>>) src(%dma_wait3A_50 : memref<1024xf32, #tpu.memory_space<hbm>>) dst(%dma_wait3A_48 : memref<1024xf32, #tpu.memory_space<vmem>>)
      tpu.yield
    }) : () -> ()
    %run_scoped3A_6 = arith.constant 2 : i32
    %run_scoped3A_7 = arith.constant 2 : i32
    "tpu.region"() ({
      %run_scoped3A_32 = tpu.sem_alloc : memref<!tpu.dma_semaphore, #tpu.memory_space<semaphore_mem>>
      %dma_start3A = arith.constant 0 : i32
      %dma_start3A_33 = tpu.memref_slice %arg5[%run_scoped3A_7, %dma_start3A] : memref<8x1024xf32, #tpu.memory_space<vmem>> -> memref<1x1024xf32, #tpu.memory_space<vmem>>
      %dma_start3A_34 = tpu.memref_squeeze %dma_start3A_33 : memref<1x1024xf32, #tpu.memory_space<vmem>> -> memref<1024xf32, #tpu.memory_space<vmem>>
      %dma_start3A_35 = tpu.memref_slice %arg2[%run_scoped3A_6, %mul3A_2] : memref<8x32768xf32, #tpu.memory_space<hbm>> -> memref<1x1024xf32, #tpu.memory_space<hbm>>
      %dma_start3A_36 = tpu.memref_squeeze %dma_start3A_35 : memref<1x1024xf32, #tpu.memory_space<hbm>> -> memref<1024xf32, #tpu.memory_space<hbm>>
      %dma_start3A_37 = arith.constant 0 : i32
      %dma_start3A_38 = tpu.memref_slice %arg5[%run_scoped3A_7, %dma_start3A_37] : memref<8x1024xf32, #tpu.memory_space<vmem>> -> memref<1x1024xf32, #tpu.memory_space<vmem>>
      %dma_start3A_39 = tpu.memref_squeeze %dma_start3A_38 : memref<1x1024xf32, #tpu.memory_space<vmem>> -> memref<1024xf32, #tpu.memory_space<vmem>>
      %dma_start3A_40 = tpu.memref_slice %arg2[%run_scoped3A_6, %mul3A_2] : memref<8x32768xf32, #tpu.memory_space<hbm>> -> memref<1x1024xf32, #tpu.memory_space<hbm>>
      %dma_start3A_41 = tpu.memref_squeeze %dma_start3A_40 : memref<1x1024xf32, #tpu.memory_space<hbm>> -> memref<1024xf32, #tpu.memory_space<hbm>>
      tpu.enqueue_dma source(%dma_start3A_41 : memref<1024xf32, #tpu.memory_space<hbm>>) target(%dma_start3A_39 : memref<1024xf32, #tpu.memory_space<vmem>>) target_semaphore(%run_scoped3A_32 : memref<!tpu.dma_semaphore, #tpu.memory_space<semaphore_mem>>)
      %dma_wait3A = arith.constant 0 : i32
      %dma_wait3A_42 = tpu.memref_slice %arg5[%run_scoped3A_7, %dma_wait3A] : memref<8x1024xf32, #tpu.memory_space<vmem>> -> memref<1x1024xf32, #tpu.memory_space<vmem>>
      %dma_wait3A_43 = tpu.memref_squeeze %dma_wait3A_42 : memref<1x1024xf32, #tpu.memory_space<vmem>> -> memref<1024xf32, #tpu.memory_space<vmem>>
      %dma_wait3A_44 = tpu.memref_slice %arg2[%run_scoped3A_6, %mul3A_2] : memref<8x32768xf32, #tpu.memory_space<hbm>> -> memref<1x1024xf32, #tpu.memory_space<hbm>>
      %dma_wait3A_45 = tpu.memref_squeeze %dma_wait3A_44 : memref<1x1024xf32, #tpu.memory_space<hbm>> -> memref<1024xf32, #tpu.memory_space<hbm>>
      %dma_wait3A_46 = arith.constant 0 : i32
      %dma_wait3A_47 = tpu.memref_slice %arg5[%run_scoped3A_7, %dma_wait3A_46] : memref<8x1024xf32, #tpu.memory_space<vmem>> -> memref<1x1024xf32, #tpu.memory_space<vmem>>
      %dma_wait3A_48 = tpu.memref_squeeze %dma_wait3A_47 : memref<1x1024xf32, #tpu.memory_space<vmem>> -> memref<1024xf32, #tpu.memory_space<vmem>>
      %dma_wait3A_49 = tpu.memref_slice %arg2[%run_scoped3A_6, %mul3A_2] : memref<8x32768xf32, #tpu.memory_space<hbm>> -> memref<1x1024xf32, #tpu.memory_space<hbm>>
      %dma_wait3A_50 = tpu.memref_squeeze %dma_wait3A_49 : memref<1x1024xf32, #tpu.memory_space<hbm>> -> memref<1024xf32, #tpu.memory_space<hbm>>
      tpu.wait_dma2 semaphore(%run_scoped3A_32 : memref<!tpu.dma_semaphore, #tpu.memory_space<semaphore_mem>>) src(%dma_wait3A_50 : memref<1024xf32, #tpu.memory_space<hbm>>) dst(%dma_wait3A_48 : memref<1024xf32, #tpu.memory_space<vmem>>)
      tpu.yield
    }) : () -> ()
    %run_scoped3A_8 = arith.constant 3 : i32
    %run_scoped3A_9 = arith.constant 3 : i32
    "tpu.region"() ({
      %run_scoped3A_32 = tpu.sem_alloc : memref<!tpu.dma_semaphore, #tpu.memory_space<semaphore_mem>>
      %dma_start3A = arith.constant 0 : i32
      %dma_start3A_33 = tpu.memref_slice %arg5[%run_scoped3A_9, %dma_start3A] : memref<8x1024xf32, #tpu.memory_space<vmem>> -> memref<1x1024xf32, #tpu.memory_space<vmem>>
      %dma_start3A_34 = tpu.memref_squeeze %dma_start3A_33 : memref<1x1024xf32, #tpu.memory_space<vmem>> -> memref<1024xf32, #tpu.memory_space<vmem>>
      %dma_start3A_35 = tpu.memref_slice %arg2[%run_scoped3A_8, %mul3A_2] : memref<8x32768xf32, #tpu.memory_space<hbm>> -> memref<1x1024xf32, #tpu.memory_space<hbm>>
      %dma_start3A_36 = tpu.memref_squeeze %dma_start3A_35 : memref<1x1024xf32, #tpu.memory_space<hbm>> -> memref<1024xf32, #tpu.memory_space<hbm>>
      %dma_start3A_37 = arith.constant 0 : i32
      %dma_start3A_38 = tpu.memref_slice %arg5[%run_scoped3A_9, %dma_start3A_37] : memref<8x1024xf32, #tpu.memory_space<vmem>> -> memref<1x1024xf32, #tpu.memory_space<vmem>>
      %dma_start3A_39 = tpu.memref_squeeze %dma_start3A_38 : memref<1x1024xf32, #tpu.memory_space<vmem>> -> memref<1024xf32, #tpu.memory_space<vmem>>
      %dma_start3A_40 = tpu.memref_slice %arg2[%run_scoped3A_8, %mul3A_2] : memref<8x32768xf32, #tpu.memory_space<hbm>> -> memref<1x1024xf32, #tpu.memory_space<hbm>>
      %dma_start3A_41 = tpu.memref_squeeze %dma_start3A_40 : memref<1x1024xf32, #tpu.memory_space<hbm>> -> memref<1024xf32, #tpu.memory_space<hbm>>
      tpu.enqueue_dma source(%dma_start3A_41 : memref<1024xf32, #tpu.memory_space<hbm>>) target(%dma_start3A_39 : memref<1024xf32, #tpu.memory_space<vmem>>) target_semaphore(%run_scoped3A_32 : memref<!tpu.dma_semaphore, #tpu.memory_space<semaphore_mem>>)
      %dma_wait3A = arith.constant 0 : i32
      %dma_wait3A_42 = tpu.memref_slice %arg5[%run_scoped3A_9, %dma_wait3A] : memref<8x1024xf32, #tpu.memory_space<vmem>> -> memref<1x1024xf32, #tpu.memory_space<vmem>>
      %dma_wait3A_43 = tpu.memref_squeeze %dma_wait3A_42 : memref<1x1024xf32, #tpu.memory_space<vmem>> -> memref<1024xf32, #tpu.memory_space<vmem>>
      %dma_wait3A_44 = tpu.memref_slice %arg2[%run_scoped3A_8, %mul3A_2] : memref<8x32768xf32, #tpu.memory_space<hbm>> -> memref<1x1024xf32, #tpu.memory_space<hbm>>
      %dma_wait3A_45 = tpu.memref_squeeze %dma_wait3A_44 : memref<1x1024xf32, #tpu.memory_space<hbm>> -> memref<1024xf32, #tpu.memory_space<hbm>>
      %dma_wait3A_46 = arith.constant 0 : i32
      %dma_wait3A_47 = tpu.memref_slice %arg5[%run_scoped3A_9, %dma_wait3A_46] : memref<8x1024xf32, #tpu.memory_space<vmem>> -> memref<1x1024xf32, #tpu.memory_space<vmem>>
      %dma_wait3A_48 = tpu.memref_squeeze %dma_wait3A_47 : memref<1x1024xf32, #tpu.memory_space<vmem>> -> memref<1024xf32, #tpu.memory_space<vmem>>
      %dma_wait3A_49 = tpu.memref_slice %arg2[%run_scoped3A_8, %mul3A_2] : memref<8x32768xf32, #tpu.memory_space<hbm>> -> memref<1x1024xf32, #tpu.memory_space<hbm>>
      %dma_wait3A_50 = tpu.memref_squeeze %dma_wait3A_49 : memref<1x1024xf32, #tpu.memory_space<hbm>> -> memref<1024xf32, #tpu.memory_space<hbm>>
      tpu.wait_dma2 semaphore(%run_scoped3A_32 : memref<!tpu.dma_semaphore, #tpu.memory_space<semaphore_mem>>) src(%dma_wait3A_50 : memref<1024xf32, #tpu.memory_space<hbm>>) dst(%dma_wait3A_48 : memref<1024xf32, #tpu.memory_space<vmem>>)
      tpu.yield
    }) : () -> ()
    %run_scoped3A_10 = arith.constant 4 : i32
    %run_scoped3A_11 = arith.constant 4 : i32
    "tpu.region"() ({
      %run_scoped3A_32 = tpu.sem_alloc : memref<!tpu.dma_semaphore, #tpu.memory_space<semaphore_mem>>
      %dma_start3A = arith.constant 0 : i32
      %dma_start3A_33 = tpu.memref_slice %arg5[%run_scoped3A_11, %dma_start3A] : memref<8x1024xf32, #tpu.memory_space<vmem>> -> memref<1x1024xf32, #tpu.memory_space<vmem>>
      %dma_start3A_34 = tpu.memref_squeeze %dma_start3A_33 : memref<1x1024xf32, #tpu.memory_space<vmem>> -> memref<1024xf32, #tpu.memory_space<vmem>>
      %dma_start3A_35 = tpu.memref_slice %arg2[%run_scoped3A_10, %mul3A_2] : memref<8x32768xf32, #tpu.memory_space<hbm>> -> memref<1x1024xf32, #tpu.memory_space<hbm>>
      %dma_start3A_36 = tpu.memref_squeeze %dma_start3A_35 : memref<1x1024xf32, #tpu.memory_space<hbm>> -> memref<1024xf32, #tpu.memory_space<hbm>>
      %dma_start3A_37 = arith.constant 0 : i32
      %dma_start3A_38 = tpu.memref_slice %arg5[%run_scoped3A_11, %dma_start3A_37] : memref<8x1024xf32, #tpu.memory_space<vmem>> -> memref<1x1024xf32, #tpu.memory_space<vmem>>
      %dma_start3A_39 = tpu.memref_squeeze %dma_start3A_38 : memref<1x1024xf32, #tpu.memory_space<vmem>> -> memref<1024xf32, #tpu.memory_space<vmem>>
      %dma_start3A_40 = tpu.memref_slice %arg2[%run_scoped3A_10, %mul3A_2] : memref<8x32768xf32, #tpu.memory_space<hbm>> -> memref<1x1024xf32, #tpu.memory_space<hbm>>
      %dma_start3A_41 = tpu.memref_squeeze %dma_start3A_40 : memref<1x1024xf32, #tpu.memory_space<hbm>> -> memref<1024xf32, #tpu.memory_space<hbm>>
      tpu.enqueue_dma source(%dma_start3A_41 : memref<1024xf32, #tpu.memory_space<hbm>>) target(%dma_start3A_39 : memref<1024xf32, #tpu.memory_space<vmem>>) target_semaphore(%run_scoped3A_32 : memref<!tpu.dma_semaphore, #tpu.memory_space<semaphore_mem>>)
      %dma_wait3A = arith.constant 0 : i32
      %dma_wait3A_42 = tpu.memref_slice %arg5[%run_scoped3A_11, %dma_wait3A] : memref<8x1024xf32, #tpu.memory_space<vmem>> -> memref<1x1024xf32, #tpu.memory_space<vmem>>
      %dma_wait3A_43 = tpu.memref_squeeze %dma_wait3A_42 : memref<1x1024xf32, #tpu.memory_space<vmem>> -> memref<1024xf32, #tpu.memory_space<vmem>>
      %dma_wait3A_44 = tpu.memref_slice %arg2[%run_scoped3A_10, %mul3A_2] : memref<8x32768xf32, #tpu.memory_space<hbm>> -> memref<1x1024xf32, #tpu.memory_space<hbm>>
      %dma_wait3A_45 = tpu.memref_squeeze %dma_wait3A_44 : memref<1x1024xf32, #tpu.memory_space<hbm>> -> memref<1024xf32, #tpu.memory_space<hbm>>
      %dma_wait3A_46 = arith.constant 0 : i32
      %dma_wait3A_47 = tpu.memref_slice %arg5[%run_scoped3A_11, %dma_wait3A_46] : memref<8x1024xf32, #tpu.memory_space<vmem>> -> memref<1x1024xf32, #tpu.memory_space<vmem>>
      %dma_wait3A_48 = tpu.memref_squeeze %dma_wait3A_47 : memref<1x1024xf32, #tpu.memory_space<vmem>> -> memref<1024xf32, #tpu.memory_space<vmem>>
      %dma_wait3A_49 = tpu.memref_slice %arg2[%run_scoped3A_10, %mul3A_2] : memref<8x32768xf32, #tpu.memory_space<hbm>> -> memref<1x1024xf32, #tpu.memory_space<hbm>>
      %dma_wait3A_50 = tpu.memref_squeeze %dma_wait3A_49 : memref<1x1024xf32, #tpu.memory_space<hbm>> -> memref<1024xf32, #tpu.memory_space<hbm>>
      tpu.wait_dma2 semaphore(%run_scoped3A_32 : memref<!tpu.dma_semaphore, #tpu.memory_space<semaphore_mem>>) src(%dma_wait3A_50 : memref<1024xf32, #tpu.memory_space<hbm>>) dst(%dma_wait3A_48 : memref<1024xf32, #tpu.memory_space<vmem>>)
      tpu.yield
    }) : () -> ()
    %run_scoped3A_12 = arith.constant 5 : i32
    %run_scoped3A_13 = arith.constant 5 : i32
    "tpu.region"() ({
      %run_scoped3A_32 = tpu.sem_alloc : memref<!tpu.dma_semaphore, #tpu.memory_space<semaphore_mem>>
      %dma_start3A = arith.constant 0 : i32
      %dma_start3A_33 = tpu.memref_slice %arg5[%run_scoped3A_13, %dma_start3A] : memref<8x1024xf32, #tpu.memory_space<vmem>> -> memref<1x1024xf32, #tpu.memory_space<vmem>>
      %dma_start3A_34 = tpu.memref_squeeze %dma_start3A_33 : memref<1x1024xf32, #tpu.memory_space<vmem>> -> memref<1024xf32, #tpu.memory_space<vmem>>
      %dma_start3A_35 = tpu.memref_slice %arg2[%run_scoped3A_12, %mul3A_2] : memref<8x32768xf32, #tpu.memory_space<hbm>> -> memref<1x1024xf32, #tpu.memory_space<hbm>>
      %dma_start3A_36 = tpu.memref_squeeze %dma_start3A_35 : memref<1x1024xf32, #tpu.memory_space<hbm>> -> memref<1024xf32, #tpu.memory_space<hbm>>
      %dma_start3A_37 = arith.constant 0 : i32
      %dma_start3A_38 = tpu.memref_slice %arg5[%run_scoped3A_13, %dma_start3A_37] : memref<8x1024xf32, #tpu.memory_space<vmem>> -> memref<1x1024xf32, #tpu.memory_space<vmem>>
      %dma_start3A_39 = tpu.memref_squeeze %dma_start3A_38 : memref<1x1024xf32, #tpu.memory_space<vmem>> -> memref<1024xf32, #tpu.memory_space<vmem>>
      %dma_start3A_40 = tpu.memref_slice %arg2[%run_scoped3A_12, %mul3A_2] : memref<8x32768xf32, #tpu.memory_space<hbm>> -> memref<1x1024xf32, #tpu.memory_space<hbm>>
      %dma_start3A_41 = tpu.memref_squeeze %dma_start3A_40 : memref<1x1024xf32, #tpu.memory_space<hbm>> -> memref<1024xf32, #tpu.memory_space<hbm>>
      tpu.enqueue_dma source(%dma_start3A_41 : memref<1024xf32, #tpu.memory_space<hbm>>) target(%dma_start3A_39 : memref<1024xf32, #tpu.memory_space<vmem>>) target_semaphore(%run_scoped3A_32 : memref<!tpu.dma_semaphore, #tpu.memory_space<semaphore_mem>>)
      %dma_wait3A = arith.constant 0 : i32
      %dma_wait3A_42 = tpu.memref_slice %arg5[%run_scoped3A_13, %dma_wait3A] : memref<8x1024xf32, #tpu.memory_space<vmem>> -> memref<1x1024xf32, #tpu.memory_space<vmem>>
      %dma_wait3A_43 = tpu.memref_squeeze %dma_wait3A_42 : memref<1x1024xf32, #tpu.memory_space<vmem>> -> memref<1024xf32, #tpu.memory_space<vmem>>
      %dma_wait3A_44 = tpu.memref_slice %arg2[%run_scoped3A_12, %mul3A_2] : memref<8x32768xf32, #tpu.memory_space<hbm>> -> memref<1x1024xf32, #tpu.memory_space<hbm>>
      %dma_wait3A_45 = tpu.memref_squeeze %dma_wait3A_44 : memref<1x1024xf32, #tpu.memory_space<hbm>> -> memref<1024xf32, #tpu.memory_space<hbm>>
      %dma_wait3A_46 = arith.constant 0 : i32
      %dma_wait3A_47 = tpu.memref_slice %arg5[%run_scoped3A_13, %dma_wait3A_46] : memref<8x1024xf32, #tpu.memory_space<vmem>> -> memref<1x1024xf32, #tpu.memory_space<vmem>>
      %dma_wait3A_48 = tpu.memref_squeeze %dma_wait3A_47 : memref<1x1024xf32, #tpu.memory_space<vmem>> -> memref<1024xf32, #tpu.memory_space<vmem>>
      %dma_wait3A_49 = tpu.memref_slice %arg2[%run_scoped3A_12, %mul3A_2] : memref<8x32768xf32, #tpu.memory_space<hbm>> -> memref<1x1024xf32, #tpu.memory_space<hbm>>
      %dma_wait3A_50 = tpu.memref_squeeze %dma_wait3A_49 : memref<1x1024xf32, #tpu.memory_space<hbm>> -> memref<1024xf32, #tpu.memory_space<hbm>>
      tpu.wait_dma2 semaphore(%run_scoped3A_32 : memref<!tpu.dma_semaphore, #tpu.memory_space<semaphore_mem>>) src(%dma_wait3A_50 : memref<1024xf32, #tpu.memory_space<hbm>>) dst(%dma_wait3A_48 : memref<1024xf32, #tpu.memory_space<vmem>>)
      tpu.yield
    }) : () -> ()
    %run_scoped3A_14 = arith.constant 6 : i32
    %run_scoped3A_15 = arith.constant 6 : i32
    "tpu.region"() ({
      %run_scoped3A_32 = tpu.sem_alloc : memref<!tpu.dma_semaphore, #tpu.memory_space<semaphore_mem>>
      %dma_start3A = arith.constant 0 : i32
      %dma_start3A_33 = tpu.memref_slice %arg5[%run_scoped3A_15, %dma_start3A] : memref<8x1024xf32, #tpu.memory_space<vmem>> -> memref<1x1024xf32, #tpu.memory_space<vmem>>
      %dma_start3A_34 = tpu.memref_squeeze %dma_start3A_33 : memref<1x1024xf32, #tpu.memory_space<vmem>> -> memref<1024xf32, #tpu.memory_space<vmem>>
      %dma_start3A_35 = tpu.memref_slice %arg2[%run_scoped3A_14, %mul3A_2] : memref<8x32768xf32, #tpu.memory_space<hbm>> -> memref<1x1024xf32, #tpu.memory_space<hbm>>
      %dma_start3A_36 = tpu.memref_squeeze %dma_start3A_35 : memref<1x1024xf32, #tpu.memory_space<hbm>> -> memref<1024xf32, #tpu.memory_space<hbm>>
      %dma_start3A_37 = arith.constant 0 : i32
      %dma_start3A_38 = tpu.memref_slice %arg5[%run_scoped3A_15, %dma_start3A_37] : memref<8x1024xf32, #tpu.memory_space<vmem>> -> memref<1x1024xf32, #tpu.memory_space<vmem>>
      %dma_start3A_39 = tpu.memref_squeeze %dma_start3A_38 : memref<1x1024xf32, #tpu.memory_space<vmem>> -> memref<1024xf32, #tpu.memory_space<vmem>>
      %dma_start3A_40 = tpu.memref_slice %arg2[%run_scoped3A_14, %mul3A_2] : memref<8x32768xf32, #tpu.memory_space<hbm>> -> memref<1x1024xf32, #tpu.memory_space<hbm>>
      %dma_start3A_41 = tpu.memref_squeeze %dma_start3A_40 : memref<1x1024xf32, #tpu.memory_space<hbm>> -> memref<1024xf32, #tpu.memory_space<hbm>>
      tpu.enqueue_dma source(%dma_start3A_41 : memref<1024xf32, #tpu.memory_space<hbm>>) target(%dma_start3A_39 : memref<1024xf32, #tpu.memory_space<vmem>>) target_semaphore(%run_scoped3A_32 : memref<!tpu.dma_semaphore, #tpu.memory_space<semaphore_mem>>)
      %dma_wait3A = arith.constant 0 : i32
      %dma_wait3A_42 = tpu.memref_slice %arg5[%run_scoped3A_15, %dma_wait3A] : memref<8x1024xf32, #tpu.memory_space<vmem>> -> memref<1x1024xf32, #tpu.memory_space<vmem>>
      %dma_wait3A_43 = tpu.memref_squeeze %dma_wait3A_42 : memref<1x1024xf32, #tpu.memory_space<vmem>> -> memref<1024xf32, #tpu.memory_space<vmem>>
      %dma_wait3A_44 = tpu.memref_slice %arg2[%run_scoped3A_14, %mul3A_2] : memref<8x32768xf32, #tpu.memory_space<hbm>> -> memref<1x1024xf32, #tpu.memory_space<hbm>>
      %dma_wait3A_45 = tpu.memref_squeeze %dma_wait3A_44 : memref<1x1024xf32, #tpu.memory_space<hbm>> -> memref<1024xf32, #tpu.memory_space<hbm>>
      %dma_wait3A_46 = arith.constant 0 : i32
      %dma_wait3A_47 = tpu.memref_slice %arg5[%run_scoped3A_15, %dma_wait3A_46] : memref<8x1024xf32, #tpu.memory_space<vmem>> -> memref<1x1024xf32, #tpu.memory_space<vmem>>
      %dma_wait3A_48 = tpu.memref_squeeze %dma_wait3A_47 : memref<1x1024xf32, #tpu.memory_space<vmem>> -> memref<1024xf32, #tpu.memory_space<vmem>>
      %dma_wait3A_49 = tpu.memref_slice %arg2[%run_scoped3A_14, %mul3A_2] : memref<8x32768xf32, #tpu.memory_space<hbm>> -> memref<1x1024xf32, #tpu.memory_space<hbm>>
      %dma_wait3A_50 = tpu.memref_squeeze %dma_wait3A_49 : memref<1x1024xf32, #tpu.memory_space<hbm>> -> memref<1024xf32, #tpu.memory_space<hbm>>
      tpu.wait_dma2 semaphore(%run_scoped3A_32 : memref<!tpu.dma_semaphore, #tpu.memory_space<semaphore_mem>>) src(%dma_wait3A_50 : memref<1024xf32, #tpu.memory_space<hbm>>) dst(%dma_wait3A_48 : memref<1024xf32, #tpu.memory_space<vmem>>)
      tpu.yield
    }) : () -> ()
    %run_scoped3A_16 = arith.constant 7 : i32
    %run_scoped3A_17 = arith.constant 7 : i32
    "tpu.region"() ({
      %run_scoped3A_32 = tpu.sem_alloc : memref<!tpu.dma_semaphore, #tpu.memory_space<semaphore_mem>>
      %dma_start3A = arith.constant 0 : i32
      %dma_start3A_33 = tpu.memref_slice %arg5[%run_scoped3A_17, %dma_start3A] : memref<8x1024xf32, #tpu.memory_space<vmem>> -> memref<1x1024xf32, #tpu.memory_space<vmem>>
      %dma_start3A_34 = tpu.memref_squeeze %dma_start3A_33 : memref<1x1024xf32, #tpu.memory_space<vmem>> -> memref<1024xf32, #tpu.memory_space<vmem>>
      %dma_start3A_35 = tpu.memref_slice %arg2[%run_scoped3A_16, %mul3A_2] : memref<8x32768xf32, #tpu.memory_space<hbm>> -> memref<1x1024xf32, #tpu.memory_space<hbm>>
      %dma_start3A_36 = tpu.memref_squeeze %dma_start3A_35 : memref<1x1024xf32, #tpu.memory_space<hbm>> -> memref<1024xf32, #tpu.memory_space<hbm>>
      %dma_start3A_37 = arith.constant 0 : i32
      %dma_start3A_38 = tpu.memref_slice %arg5[%run_scoped3A_17, %dma_start3A_37] : memref<8x1024xf32, #tpu.memory_space<vmem>> -> memref<1x1024xf32, #tpu.memory_space<vmem>>
      %dma_start3A_39 = tpu.memref_squeeze %dma_start3A_38 : memref<1x1024xf32, #tpu.memory_space<vmem>> -> memref<1024xf32, #tpu.memory_space<vmem>>
      %dma_start3A_40 = tpu.memref_slice %arg2[%run_scoped3A_16, %mul3A_2] : memref<8x32768xf32, #tpu.memory_space<hbm>> -> memref<1x1024xf32, #tpu.memory_space<hbm>>
      %dma_start3A_41 = tpu.memref_squeeze %dma_start3A_40 : memref<1x1024xf32, #tpu.memory_space<hbm>> -> memref<1024xf32, #tpu.memory_space<hbm>>
      tpu.enqueue_dma source(%dma_start3A_41 : memref<1024xf32, #tpu.memory_space<hbm>>) target(%dma_start3A_39 : memref<1024xf32, #tpu.memory_space<vmem>>) target_semaphore(%run_scoped3A_32 : memref<!tpu.dma_semaphore, #tpu.memory_space<semaphore_mem>>)
      %dma_wait3A = arith.constant 0 : i32
      %dma_wait3A_42 = tpu.memref_slice %arg5[%run_scoped3A_17, %dma_wait3A] : memref<8x1024xf32, #tpu.memory_space<vmem>> -> memref<1x1024xf32, #tpu.memory_space<vmem>>
      %dma_wait3A_43 = tpu.memref_squeeze %dma_wait3A_42 : memref<1x1024xf32, #tpu.memory_space<vmem>> -> memref<1024xf32, #tpu.memory_space<vmem>>
      %dma_wait3A_44 = tpu.memref_slice %arg2[%run_scoped3A_16, %mul3A_2] : memref<8x32768xf32, #tpu.memory_space<hbm>> -> memref<1x1024xf32, #tpu.memory_space<hbm>>
      %dma_wait3A_45 = tpu.memref_squeeze %dma_wait3A_44 : memref<1x1024xf32, #tpu.memory_space<hbm>> -> memref<1024xf32, #tpu.memory_space<hbm>>
      %dma_wait3A_46 = arith.constant 0 : i32
      %dma_wait3A_47 = tpu.memref_slice %arg5[%run_scoped3A_17, %dma_wait3A_46] : memref<8x1024xf32, #tpu.memory_space<vmem>> -> memref<1x1024xf32, #tpu.memory_space<vmem>>
      %dma_wait3A_48 = tpu.memref_squeeze %dma_wait3A_47 : memref<1x1024xf32, #tpu.memory_space<vmem>> -> memref<1024xf32, #tpu.memory_space<vmem>>
      %dma_wait3A_49 = tpu.memref_slice %arg2[%run_scoped3A_16, %mul3A_2] : memref<8x32768xf32, #tpu.memory_space<hbm>> -> memref<1x1024xf32, #tpu.memory_space<hbm>>
      %dma_wait3A_50 = tpu.memref_squeeze %dma_wait3A_49 : memref<1x1024xf32, #tpu.memory_space<hbm>> -> memref<1024xf32, #tpu.memory_space<hbm>>
      tpu.wait_dma2 semaphore(%run_scoped3A_32 : memref<!tpu.dma_semaphore, #tpu.memory_space<semaphore_mem>>) src(%dma_wait3A_50 : memref<1024xf32, #tpu.memory_space<hbm>>) dst(%dma_wait3A_48 : memref<1024xf32, #tpu.memory_space<vmem>>)
      tpu.yield
    }) : () -> ()
    %scan3A = arith.constant 0 : i32
    %scan3A_18 = arith.constant 0 : i32
    %scan3A_19 = arith.constant 64 : i32
    %scan3A_20 = arith.addi %scan3A_18, %scan3A_19 : i32
    %scan3A_21 = arith.constant 1 : i32
    %scan3A_22 = scf.for %scan3A_32 = %scan3A_18 to %scan3A_20 step %scan3A_21 iter_args(%scan3A_33 = %scan3A) -> (i32)  : i32 {
      %mul3A_34 = arith.constant 16 : i32
      %mul3A_35 = arith.muli %scan3A_32, %mul3A_34 : i32
      %get3A = arith.constant 0 : i32
      %get3A_36 = arith.index_cast %get3A : i32 to index
      %get3A_37 = arith.index_cast %mul3A_35 : i32 to index
      %get3A_38 = tpu.vector_load %arg5[%get3A_36, %get3A_37] {strides = array<i32>} : memref<8x1024xf32, #tpu.memory_space<vmem>>, vector<1x16xf32>,
      %get3A_39 = vector.shape_cast %get3A_38 : vector<1x16xf32> to vector<16xf32>
      %get3A_40 = arith.constant 1 : i32
      %get3A_41 = arith.index_cast %get3A_40 : i32 to index
      %get3A_42 = arith.index_cast %mul3A_35 : i32 to index
      %get3A_43 = tpu.vector_load %arg5[%get3A_41, %get3A_42] {strides = array<i32>} : memref<8x1024xf32, #tpu.memory_space<vmem>>, vector<1x16xf32>,
      %get3A_44 = vector.shape_cast %get3A_43 : vector<1x16xf32> to vector<16xf32>
      %get3A_45 = arith.constant 2 : i32
      %get3A_46 = arith.index_cast %get3A_45 : i32 to index
      %get3A_47 = arith.index_cast %mul3A_35 : i32 to index
      %get3A_48 = tpu.vector_load %arg5[%get3A_46, %get3A_47] {strides = array<i32>} : memref<8x1024xf32, #tpu.memory_space<vmem>>, vector<1x16xf32>,
      %get3A_49 = vector.shape_cast %get3A_48 : vector<1x16xf32> to vector<16xf32>
      %get3A_50 = arith.constant 3 : i32
      %get3A_51 = arith.index_cast %get3A_50 : i32 to index
      %get3A_52 = arith.index_cast %mul3A_35 : i32 to index
      %get3A_53 = tpu.vector_load %arg5[%get3A_51, %get3A_52] {strides = array<i32>} : memref<8x1024xf32, #tpu.memory_space<vmem>>, vector<1x16xf32>,
      %get3A_54 = vector.shape_cast %get3A_53 : vector<1x16xf32> to vector<16xf32>
      %get3A_55 = arith.constant 4 : i32
      %get3A_56 = arith.index_cast %get3A_55 : i32 to index
      %get3A_57 = arith.index_cast %mul3A_35 : i32 to index
      %get3A_58 = tpu.vector_load %arg5[%get3A_56, %get3A_57] {strides = array<i32>} : memref<8x1024xf32, #tpu.memory_space<vmem>>, vector<1x16xf32>,
      %get3A_59 = vector.shape_cast %get3A_58 : vector<1x16xf32> to vector<16xf32>
      %get3A_60 = arith.constant 5 : i32
      %get3A_61 = arith.index_cast %get3A_60 : i32 to index
      %get3A_62 = arith.index_cast %mul3A_35 : i32 to index
      %get3A_63 = tpu.vector_load %arg5[%get3A_61, %get3A_62] {strides = array<i32>} : memref<8x1024xf32, #tpu.memory_space<vmem>>, vector<1x16xf32>,
      %get3A_64 = vector.shape_cast %get3A_63 : vector<1x16xf32> to vector<16xf32>
      %get3A_65 = arith.constant 6 : i32
      %get3A_66 = arith.index_cast %get3A_65 : i32 to index
      %get3A_67 = arith.index_cast %mul3A_35 : i32 to index
      %get3A_68 = tpu.vector_load %arg5[%get3A_66, %get3A_67] {strides = array<i32>} : memref<8x1024xf32, #tpu.memory_space<vmem>>, vector<1x16xf32>,
      %get3A_69 = vector.shape_cast %get3A_68 : vector<1x16xf32> to vector<16xf32>
      %get3A_70 = arith.constant 7 : i32
      %get3A_71 = arith.index_cast %get3A_70 : i32 to index
      %get3A_72 = arith.index_cast %mul3A_35 : i32 to index
      %get3A_73 = tpu.vector_load %arg5[%get3A_71, %get3A_72] {strides = array<i32>} : memref<8x1024xf32, #tpu.memory_space<vmem>>, vector<1x16xf32>,
      %get3A_74 = vector.shape_cast %get3A_73 : vector<1x16xf32> to vector<16xf32>
      %broadcast_in_dim3A = arith.constant 0 : i32
      %broadcast_in_dim3A_75 = vector.broadcast %broadcast_in_dim3A : i32 to vector<16xi32>
      %broadcast_in_dim3A_76 = arith.constant 1 : i32
      %broadcast_in_dim3A_77 = vector.broadcast %broadcast_in_dim3A_76 : i32 to vector<16xi32>
      %gt3A = arith.cmpf ogt, %get3A_44, %get3A_39 : vector<16xf32>
      %select_n3A = arith.select %gt3A, %get3A_44, %get3A_39 : vector<16xi1>, vector<16xf32>
      %select_n3A_78 = arith.select %gt3A, %broadcast_in_dim3A_77, %broadcast_in_dim3A_75 : vector<16xi1>, vector<16xi32>
      %broadcast_in_dim3A_79 = arith.constant 2 : i32
      %broadcast_in_dim3A_80 = vector.broadcast %broadcast_in_dim3A_79 : i32 to vector<16xi32>
      %gt3A_81 = arith.cmpf ogt, %get3A_49, %select_n3A : vector<16xf32>
      %select_n3A_82 = arith.select %gt3A_81, %get3A_49, %select_n3A : vector<16xi1>, vector<16xf32>
      %select_n3A_83 = arith.select %gt3A_81, %broadcast_in_dim3A_80, %select_n3A_78 : vector<16xi1>, vector<16xi32>
      %broadcast_in_dim3A_84 = arith.constant 3 : i32
      %broadcast_in_dim3A_85 = vector.broadcast %broadcast_in_dim3A_84 : i32 to vector<16xi32>
      %gt3A_86 = arith.cmpf ogt, %get3A_54, %select_n3A_82 : vector<16xf32>
      %select_n3A_87 = arith.select %gt3A_86, %get3A_54, %select_n3A_82 : vector<16xi1>, vector<16xf32>
      %select_n3A_88 = arith.select %gt3A_86, %broadcast_in_dim3A_85, %select_n3A_83 : vector<16xi1>, vector<16xi32>
      %broadcast_in_dim3A_89 = arith.constant 4 : i32
      %broadcast_in_dim3A_90 = vector.broadcast %broadcast_in_dim3A_89 : i32 to vector<16xi32>
      %gt3A_91 = arith.cmpf ogt, %get3A_59, %select_n3A_87 : vector<16xf32>
      %select_n3A_92 = arith.select %gt3A_91, %get3A_59, %select_n3A_87 : vector<16xi1>, vector<16xf32>
      %select_n3A_93 = arith.select %gt3A_91, %broadcast_in_dim3A_90, %select_n3A_88 : vector<16xi1>, vector<16xi32>
      %broadcast_in_dim3A_94 = arith.constant 5 : i32
      %broadcast_in_dim3A_95 = vector.broadcast %broadcast_in_dim3A_94 : i32 to vector<16xi32>
      %gt3A_96 = arith.cmpf ogt, %get3A_64, %select_n3A_92 : vector<16xf32>
      %select_n3A_97 = arith.select %gt3A_96, %get3A_64, %select_n3A_92 : vector<16xi1>, vector<16xf32>
      %select_n3A_98 = arith.select %gt3A_96, %broadcast_in_dim3A_95, %select_n3A_93 : vector<16xi1>, vector<16xi32>
      %broadcast_in_dim3A_99 = arith.constant 6 : i32
      %broadcast_in_dim3A_100 = vector.broadcast %broadcast_in_dim3A_99 : i32 to vector<16xi32>
      %gt3A_101 = arith.cmpf ogt, %get3A_69, %select_n3A_97 : vector<16xf32>
      %select_n3A_102 = arith.select %gt3A_101, %get3A_69, %select_n3A_97 : vector<16xi1>, vector<16xf32>
      %select_n3A_103 = arith.select %gt3A_101, %broadcast_in_dim3A_100, %select_n3A_98 : vector<16xi1>, vector<16xi32>
      %broadcast_in_dim3A_104 = arith.constant 7 : i32
      %broadcast_in_dim3A_105 = vector.broadcast %broadcast_in_dim3A_104 : i32 to vector<16xi32>
      %gt3A_106 = arith.cmpf ogt, %get3A_74, %select_n3A_102 : vector<16xf32>
      %select_n3A_107 = arith.select %gt3A_106, %get3A_74, %select_n3A_102 : vector<16xi1>, vector<16xf32>
      %select_n3A_108 = arith.select %gt3A_106, %broadcast_in_dim3A_105, %select_n3A_103 : vector<16xi1>, vector<16xi32>
      %broadcast_in_dim3A_109 = arith.constant 0xFF800000 : f32
      %broadcast_in_dim3A_110 = vector.broadcast %broadcast_in_dim3A_109 : f32 to vector<16xf32>
      %broadcast_in_dim3A_111 = arith.constant 0 : i32
      %broadcast_in_dim3A_112 = vector.broadcast %broadcast_in_dim3A_111 : i32 to vector<16xi32>
      %broadcast_in_dim3A_113 = arith.constant 0 : i32
      %broadcast_in_dim3A_114 = vector.broadcast %broadcast_in_dim3A_113 : i32 to vector<16xi32>
      %eq3A = arith.cmpi eq, %select_n3A_108, %broadcast_in_dim3A_114 : vector<16xi32>
      %select_n3A_115 = arith.select %eq3A, %broadcast_in_dim3A_110, %get3A_39 : vector<16xi1>, vector<16xf32>
      %gt3A_116 = arith.cmpf ogt, %select_n3A_115, %broadcast_in_dim3A_110 : vector<16xf32>
      %select_n3A_117 = arith.select %gt3A_116, %select_n3A_115, %broadcast_in_dim3A_110 : vector<16xi1>, vector<16xf32>
      %select_n3A_118 = arith.select %gt3A_116, %broadcast_in_dim3A_114, %broadcast_in_dim3A_112 : vector<16xi1>, vector<16xi32>
      %broadcast_in_dim3A_119 = arith.constant 1 : i32
      %broadcast_in_dim3A_120 = vector.broadcast %broadcast_in_dim3A_119 : i32 to vector<16xi32>
      %eq3A_121 = arith.cmpi eq, %select_n3A_108, %broadcast_in_dim3A_120 : vector<16xi32>
      %select_n3A_122 = arith.select %eq3A_121, %broadcast_in_dim3A_110, %get3A_44 : vector<16xi1>, vector<16xf32>
      %gt3A_123 = arith.cmpf ogt, %select_n3A_122, %select_n3A_117 : vector<16xf32>
      %select_n3A_124 = arith.select %gt3A_123, %select_n3A_122, %select_n3A_117 : vector<16xi1>, vector<16xf32>
      %select_n3A_125 = arith.select %gt3A_123, %broadcast_in_dim3A_120, %select_n3A_118 : vector<16xi1>, vector<16xi32>
      %broadcast_in_dim3A_126 = arith.constant 2 : i32
      %broadcast_in_dim3A_127 = vector.broadcast %broadcast_in_dim3A_126 : i32 to vector<16xi32>
      %eq3A_128 = arith.cmpi eq, %select_n3A_108, %broadcast_in_dim3A_127 : vector<16xi32>
      %select_n3A_129 = arith.select %eq3A_128, %broadcast_in_dim3A_110, %get3A_49 : vector<16xi1>, vector<16xf32>
      %gt3A_130 = arith.cmpf ogt, %select_n3A_129, %select_n3A_124 : vector<16xf32>
      %select_n3A_131 = arith.select %gt3A_130, %select_n3A_129, %select_n3A_124 : vector<16xi1>, vector<16xf32>
      %select_n3A_132 = arith.select %gt3A_130, %broadcast_in_dim3A_127, %select_n3A_125 : vector<16xi1>, vector<16xi32>
      %broadcast_in_dim3A_133 = arith.constant 3 : i32
      %broadcast_in_dim3A_134 = vector.broadcast %broadcast_in_dim3A_133 : i32 to vector<16xi32>
      %eq3A_135 = arith.cmpi eq, %select_n3A_108, %broadcast_in_dim3A_134 : vector<16xi32>
      %select_n3A_136 = arith.select %eq3A_135, %broadcast_in_dim3A_110, %get3A_54 : vector<16xi1>, vector<16xf32>
      %gt3A_137 = arith.cmpf ogt, %select_n3A_136, %select_n3A_131 : vector<16xf32>
      %select_n3A_138 = arith.select %gt3A_137, %select_n3A_136, %select_n3A_131 : vector<16xi1>, vector<16xf32>
      %select_n3A_139 = arith.select %gt3A_137, %broadcast_in_dim3A_134, %select_n3A_132 : vector<16xi1>, vector<16xi32>
      %broadcast_in_dim3A_140 = arith.constant 4 : i32
      %broadcast_in_dim3A_141 = vector.broadcast %broadcast_in_dim3A_140 : i32 to vector<16xi32>
      %eq3A_142 = arith.cmpi eq, %select_n3A_108, %broadcast_in_dim3A_141 : vector<16xi32>
      %select_n3A_143 = arith.select %eq3A_142, %broadcast_in_dim3A_110, %get3A_59 : vector<16xi1>, vector<16xf32>
      %gt3A_144 = arith.cmpf ogt, %select_n3A_143, %select_n3A_138 : vector<16xf32>
      %select_n3A_145 = arith.select %gt3A_144, %select_n3A_143, %select_n3A_138 : vector<16xi1>, vector<16xf32>
      %select_n3A_146 = arith.select %gt3A_144, %broadcast_in_dim3A_141, %select_n3A_139 : vector<16xi1>, vector<16xi32>
      %broadcast_in_dim3A_147 = arith.constant 5 : i32
      %broadcast_in_dim3A_148 = vector.broadcast %broadcast_in_dim3A_147 : i32 to vector<16xi32>
      %eq3A_149 = arith.cmpi eq, %select_n3A_108, %broadcast_in_dim3A_148 : vector<16xi32>
      %select_n3A_150 = arith.select %eq3A_149, %broadcast_in_dim3A_110, %get3A_64 : vector<16xi1>, vector<16xf32>
      %gt3A_151 = arith.cmpf ogt, %select_n3A_150, %select_n3A_145 : vector<16xf32>
      %select_n3A_152 = arith.select %gt3A_151, %select_n3A_150, %select_n3A_145 : vector<16xi1>, vector<16xf32>
      %select_n3A_153 = arith.select %gt3A_151, %broadcast_in_dim3A_148, %select_n3A_146 : vector<16xi1>, vector<16xi32>
      %broadcast_in_dim3A_154 = arith.constant 6 : i32
      %broadcast_in_dim3A_155 = vector.broadcast %broadcast_in_dim3A_154 : i32 to vector<16xi32>
      %eq3A_156 = arith.cmpi eq, %select_n3A_108, %broadcast_in_dim3A_155 : vector<16xi32>
      %select_n3A_157 = arith.select %eq3A_156, %broadcast_in_dim3A_110, %get3A_69 : vector<16xi1>, vector<16xf32>
      %gt3A_158 = arith.cmpf ogt, %select_n3A_157, %select_n3A_152 : vector<16xf32>
      %select_n3A_159 = arith.select %gt3A_158, %select_n3A_157, %select_n3A_152 : vector<16xi1>, vector<16xf32>
      %select_n3A_160 = arith.select %gt3A_158, %broadcast_in_dim3A_155, %select_n3A_153 : vector<16xi1>, vector<16xi32>
      %broadcast_in_dim3A_161 = arith.constant 7 : i32
      %broadcast_in_dim3A_162 = vector.broadcast %broadcast_in_dim3A_161 : i32 to vector<16xi32>
      %eq3A_163 = arith.cmpi eq, %select_n3A_108, %broadcast_in_dim3A_162 : vector<16xi32>
      %select_n3A_164 = arith.select %eq3A_163, %broadcast_in_dim3A_110, %get3A_74 : vector<16xi1>, vector<16xf32>
      %gt3A_165 = arith.cmpf ogt, %select_n3A_164, %select_n3A_159 : vector<16xf32>
      %select_n3A_166 = arith.select %gt3A_165, %select_n3A_164, %select_n3A_159 : vector<16xi1>, vector<16xf32>
      %select_n3A_167 = arith.select %gt3A_165, %broadcast_in_dim3A_162, %select_n3A_160 : vector<16xi1>, vector<16xi32>
      %add3A_168 = arith.addf %select_n3A_107, %select_n3A_166 : vector<16xf32>
      %add3A_169 = arith.constant 9.99999971E-10 : f32
      %add3A_170 = vector.broadcast %add3A_169 : f32 to vector<16xf32>
      %add3A_171 = arith.addf %add3A_168, %add3A_170 : vector<16xf32>
      %div3A = arith.divf %select_n3A_107, %add3A_171 : vector<16xf32>
      %swap3A = arith.constant 0 : i32
      %swap3A_172 = arith.index_cast %swap3A : i32 to index
      %swap3A_173 = arith.index_cast %mul3A_35 : i32 to index
      %swap3A_174 = tpu.vector_load %arg6[%swap3A_172, %swap3A_173] {strides = array<i32>} : memref<2x1024xf32, #tpu.memory_space<vmem>>, vector<1x16xf32>,
      %swap3A_175 = vector.shape_cast %swap3A_174 : vector<1x16xf32> to vector<16xf32>
      %swap3A_176 = vector.shape_cast %div3A : vector<16xf32> to vector<1x16xf32>
      tpu.vector_store %arg6[%swap3A_172, %swap3A_173], %swap3A_176 {strides = array<i32>} : memref<2x1024xf32, #tpu.memory_space<vmem>>, vector<1x16xf32>,
      %div3A_177 = arith.divf %select_n3A_166, %add3A_171 : vector<16xf32>
      %swap3A_178 = arith.constant 1 : i32
      %swap3A_179 = arith.index_cast %swap3A_178 : i32 to index
      %swap3A_180 = arith.index_cast %mul3A_35 : i32 to index
      %swap3A_181 = tpu.vector_load %arg6[%swap3A_179, %swap3A_180] {strides = array<i32>} : memref<2x1024xf32, #tpu.memory_space<vmem>>, vector<1x16xf32>,
      %swap3A_182 = vector.shape_cast %swap3A_181 : vector<1x16xf32> to vector<16xf32>
      %swap3A_183 = vector.shape_cast %div3A_177 : vector<16xf32> to vector<1x16xf32>
      tpu.vector_store %arg6[%swap3A_179, %swap3A_180], %swap3A_183 {strides = array<i32>} : memref<2x1024xf32, #tpu.memory_space<vmem>>, vector<1x16xf32>,
      %swap3A_184 = arith.constant 0 : i32
      %swap3A_185 = arith.index_cast %swap3A_184 : i32 to index
      %swap3A_186 = arith.index_cast %mul3A_35 : i32 to index
      %swap3A_187 = tpu.vector_load %arg7[%swap3A_185, %swap3A_186] {strides = array<i32>} : memref<2x1024xi32, #tpu.memory_space<vmem>>, vector<1x16xi32>,
      %swap3A_188 = vector.shape_cast %swap3A_187 : vector<1x16xi32> to vector<16xi32>
      %swap3A_189 = vector.shape_cast %select_n3A_108 : vector<16xi32> to vector<1x16xi32>
      tpu.vector_store %arg7[%swap3A_185, %swap3A_186], %swap3A_189 {strides = array<i32>} : memref<2x1024xi32, #tpu.memory_space<vmem>>, vector<1x16xi32>,
      %swap3A_190 = arith.constant 1 : i32
      %swap3A_191 = arith.index_cast %swap3A_190 : i32 to index
      %swap3A_192 = arith.index_cast %mul3A_35 : i32 to index
      %swap3A_193 = tpu.vector_load %arg7[%swap3A_191, %swap3A_192] {strides = array<i32>} : memref<2x1024xi32, #tpu.memory_space<vmem>>, vector<1x16xi32>,
      %swap3A_194 = vector.shape_cast %swap3A_193 : vector<1x16xi32> to vector<16xi32>
      %swap3A_195 = vector.shape_cast %select_n3A_167 : vector<16xi32> to vector<1x16xi32>
      tpu.vector_store %arg7[%swap3A_191, %swap3A_192], %swap3A_195 {strides = array<i32>} : memref<2x1024xi32, #tpu.memory_space<vmem>>, vector<1x16xi32>,
      %scan3A_196 = arith.constant 0 : i32
      scf.yield %scan3A_196 : i32
    }
    %scan3A_23 = arith.constant 64 : i32
    %run_scoped3A_24 = arith.constant 0 : i32
    %run_scoped3A_25 = arith.constant 0 : i32
    "tpu.region"() ({
      %run_scoped3A_32 = tpu.sem_alloc : memref<!tpu.dma_semaphore, #tpu.memory_space<semaphore_mem>>
      %dma_start3A = arith.constant 0 : i32
      %dma_start3A_33 = tpu.memref_slice %arg6[%run_scoped3A_24, %dma_start3A] : memref<2x1024xf32, #tpu.memory_space<vmem>> -> memref<1x1024xf32, #tpu.memory_space<vmem>>
      %dma_start3A_34 = tpu.memref_squeeze %dma_start3A_33 : memref<1x1024xf32, #tpu.memory_space<vmem>> -> memref<1024xf32, #tpu.memory_space<vmem>>
      %dma_start3A_35 = tpu.memref_slice %arg3[%run_scoped3A_25, %mul3A_2] : memref<2x32768xf32, #tpu.memory_space<hbm>> -> memref<1x1024xf32, #tpu.memory_space<hbm>>
      %dma_start3A_36 = tpu.memref_squeeze %dma_start3A_35 : memref<1x1024xf32, #tpu.memory_space<hbm>> -> memref<1024xf32, #tpu.memory_space<hbm>>
      %dma_start3A_37 = tpu.memref_slice %arg3[%run_scoped3A_25, %mul3A_2] : memref<2x32768xf32, #tpu.memory_space<hbm>> -> memref<1x1024xf32, #tpu.memory_space<hbm>>
      %dma_start3A_38 = tpu.memref_squeeze %dma_start3A_37 : memref<1x1024xf32, #tpu.memory_space<hbm>> -> memref<1024xf32, #tpu.memory_space<hbm>>
      %dma_start3A_39 = arith.constant 0 : i32
      %dma_start3A_40 = tpu.memref_slice %arg6[%run_scoped3A_24, %dma_start3A_39] : memref<2x1024xf32, #tpu.memory_space<vmem>> -> memref<1x1024xf32, #tpu.memory_space<vmem>>
      %dma_start3A_41 = tpu.memref_squeeze %dma_start3A_40 : memref<1x1024xf32, #tpu.memory_space<vmem>> -> memref<1024xf32, #tpu.memory_space<vmem>>
      tpu.enqueue_dma source(%dma_start3A_41 : memref<1024xf32, #tpu.memory_space<vmem>>) target(%dma_start3A_38 : memref<1024xf32, #tpu.memory_space<hbm>>) target_semaphore(%run_scoped3A_32 : memref<!tpu.dma_semaphore, #tpu.memory_space<semaphore_mem>>)
      %dma_wait3A = arith.constant 0 : i32
      %dma_wait3A_42 = tpu.memref_slice %arg6[%run_scoped3A_24, %dma_wait3A] : memref<2x1024xf32, #tpu.memory_space<vmem>> -> memref<1x1024xf32, #tpu.memory_space<vmem>>
      %dma_wait3A_43 = tpu.memref_squeeze %dma_wait3A_42 : memref<1x1024xf32, #tpu.memory_space<vmem>> -> memref<1024xf32, #tpu.memory_space<vmem>>
      %dma_wait3A_44 = tpu.memref_slice %arg3[%run_scoped3A_25, %mul3A_2] : memref<2x32768xf32, #tpu.memory_space<hbm>> -> memref<1x1024xf32, #tpu.memory_space<hbm>>
      %dma_wait3A_45 = tpu.memref_squeeze %dma_wait3A_44 : memref<1x1024xf32, #tpu.memory_space<hbm>> -> memref<1024xf32, #tpu.memory_space<hbm>>
      %dma_wait3A_46 = tpu.memref_slice %arg3[%run_scoped3A_25, %mul3A_2] : memref<2x32768xf32, #tpu.memory_space<hbm>> -> memref<1x1024xf32, #tpu.memory_space<hbm>>
      %dma_wait3A_47 = tpu.memref_squeeze %dma_wait3A_46 : memref<1x1024xf32, #tpu.memory_space<hbm>> -> memref<1024xf32, #tpu.memory_space<hbm>>
      %dma_wait3A_48 = arith.constant 0 : i32
      %dma_wait3A_49 = tpu.memref_slice %arg6[%run_scoped3A_24, %dma_wait3A_48] : memref<2x1024xf32, #tpu.memory_space<vmem>> -> memref<1x1024xf32, #tpu.memory_space<vmem>>
      %dma_wait3A_50 = tpu.memref_squeeze %dma_wait3A_49 : memref<1x1024xf32, #tpu.memory_space<vmem>> -> memref<1024xf32, #tpu.memory_space<vmem>>
      tpu.wait_dma2 semaphore(%run_scoped3A_32 : memref<!tpu.dma_semaphore, #tpu.memory_space<semaphore_mem>>) src(%dma_wait3A_50 : memref<1024xf32, #tpu.memory_space<vmem>>) dst(%dma_wait3A_47 : memref<1024xf32, #tpu.memory_space<hbm>>)
      tpu.yield
    }) : () -> ()
    %run_scoped3A_26 = arith.constant 0 : i32
    %run_scoped3A_27 = arith.constant 0 : i32
    "tpu.region"() ({
      %run_scoped3A_32 = tpu.sem_alloc : memref<!tpu.dma_semaphore, #tpu.memory_space<semaphore_mem>>
      %dma_start3A = arith.constant 0 : i32
      %dma_start3A_33 = tpu.memref_slice %arg7[%run_scoped3A_26, %dma_start3A] : memref<2x1024xi32, #tpu.memory_space<vmem>> -> memref<1x1024xi32, #tpu.memory_space<vmem>>
      %dma_start3A_34 = tpu.memref_squeeze %dma_start3A_33 : memref<1x1024xi32, #tpu.memory_space<vmem>> -> memref<1024xi32, #tpu.memory_space<vmem>>
      %dma_start3A_35 = tpu.memref_slice %arg4[%run_scoped3A_27, %mul3A_2] : memref<2x32768xi32, #tpu.memory_space<hbm>> -> memref<1x1024xi32, #tpu.memory_space<hbm>>
      %dma_start3A_36 = tpu.memref_squeeze %dma_start3A_35 : memref<1x1024xi32, #tpu.memory_space<hbm>> -> memref<1024xi32, #tpu.memory_space<hbm>>
      %dma_start3A_37 = tpu.memref_slice %arg4[%run_scoped3A_27, %mul3A_2] : memref<2x32768xi32, #tpu.memory_space<hbm>> -> memref<1x1024xi32, #tpu.memory_space<hbm>>
      %dma_start3A_38 = tpu.memref_squeeze %dma_start3A_37 : memref<1x1024xi32, #tpu.memory_space<hbm>> -> memref<1024xi32, #tpu.memory_space<hbm>>
      %dma_start3A_39 = arith.constant 0 : i32
      %dma_start3A_40 = tpu.memref_slice %arg7[%run_scoped3A_26, %dma_start3A_39] : memref<2x1024xi32, #tpu.memory_space<vmem>> -> memref<1x1024xi32, #tpu.memory_space<vmem>>
      %dma_start3A_41 = tpu.memref_squeeze %dma_start3A_40 : memref<1x1024xi32, #tpu.memory_space<vmem>> -> memref<1024xi32, #tpu.memory_space<vmem>>
      tpu.enqueue_dma source(%dma_start3A_41 : memref<1024xi32, #tpu.memory_space<vmem>>) target(%dma_start3A_38 : memref<1024xi32, #tpu.memory_space<hbm>>) target_semaphore(%run_scoped3A_32 : memref<!tpu.dma_semaphore, #tpu.memory_space<semaphore_mem>>)
      %dma_wait3A = arith.constant 0 : i32
      %dma_wait3A_42 = tpu.memref_slice %arg7[%run_scoped3A_26, %dma_wait3A] : memref<2x1024xi32, #tpu.memory_space<vmem>> -> memref<1x1024xi32, #tpu.memory_space<vmem>>
      %dma_wait3A_43 = tpu.memref_squeeze %dma_wait3A_42 : memref<1x1024xi32, #tpu.memory_space<vmem>> -> memref<1024xi32, #tpu.memory_space<vmem>>
      %dma_wait3A_44 = tpu.memref_slice %arg4[%run_scoped3A_27, %mul3A_2] : memref<2x32768xi32, #tpu.memory_space<hbm>> -> memref<1x1024xi32, #tpu.memory_space<hbm>>
      %dma_wait3A_45 = tpu.memref_squeeze %dma_wait3A_44 : memref<1x1024xi32, #tpu.memory_space<hbm>> -> memref<1024xi32, #tpu.memory_space<hbm>>
      %dma_wait3A_46 = tpu.memref_slice %arg4[%run_scoped3A_27, %mul3A_2] : memref<2x32768xi32, #tpu.memory_space<hbm>> -> memref<1x1024xi32, #tpu.memory_space<hbm>>
      %dma_wait3A_47 = tpu.memref_squeeze %dma_wait3A_46 : memref<1x1024xi32, #tpu.memory_space<hbm>> -> memref<1024xi32, #tpu.memory_space<hbm>>
      %dma_wait3A_48 = arith.constant 0 : i32
      %dma_wait3A_49 = tpu.memref_slice %arg7[%run_scoped3A_26, %dma_wait3A_48] : memref<2x1024xi32, #tpu.memory_space<vmem>> -> memref<1x1024xi32, #tpu.memory_space<vmem>>
      %dma_wait3A_50 = tpu.memref_squeeze %dma_wait3A_49 : memref<1x1024xi32, #tpu.memory_space<vmem>> -> memref<1024xi32, #tpu.memory_space<vmem>>
      tpu.wait_dma2 semaphore(%run_scoped3A_32 : memref<!tpu.dma_semaphore, #tpu.memory_space<semaphore_mem>>) src(%dma_wait3A_50 : memref<1024xi32, #tpu.memory_space<vmem>>) dst(%dma_wait3A_47 : memref<1024xi32, #tpu.memory_space<hbm>>)
      tpu.yield
    }) : () -> ()
    %run_scoped3A_28 = arith.constant 1 : i32
    %run_scoped3A_29 = arith.constant 1 : i32
    "tpu.region"() ({
      %run_scoped3A_32 = tpu.sem_alloc : memref<!tpu.dma_semaphore, #tpu.memory_space<semaphore_mem>>
      %dma_start3A = arith.constant 0 : i32
      %dma_start3A_33 = tpu.memref_slice %arg6[%run_scoped3A_28, %dma_start3A] : memref<2x1024xf32, #tpu.memory_space<vmem>> -> memref<1x1024xf32, #tpu.memory_space<vmem>>
      %dma_start3A_34 = tpu.memref_squeeze %dma_start3A_33 : memref<1x1024xf32, #tpu.memory_space<vmem>> -> memref<1024xf32, #tpu.memory_space<vmem>>
      %dma_start3A_35 = tpu.memref_slice %arg3[%run_scoped3A_29, %mul3A_2] : memref<2x32768xf32, #tpu.memory_space<hbm>> -> memref<1x1024xf32, #tpu.memory_space<hbm>>
      %dma_start3A_36 = tpu.memref_squeeze %dma_start3A_35 : memref<1x1024xf32, #tpu.memory_space<hbm>> -> memref<1024xf32, #tpu.memory_space<hbm>>
      %dma_start3A_37 = tpu.memref_slice %arg3[%run_scoped3A_29, %mul3A_2] : memref<2x32768xf32, #tpu.memory_space<hbm>> -> memref<1x1024xf32, #tpu.memory_space<hbm>>
      %dma_start3A_38 = tpu.memref_squeeze %dma_start3A_37 : memref<1x1024xf32, #tpu.memory_space<hbm>> -> memref<1024xf32, #tpu.memory_space<hbm>>
      %dma_start3A_39 = arith.constant 0 : i32
      %dma_start3A_40 = tpu.memref_slice %arg6[%run_scoped3A_28, %dma_start3A_39] : memref<2x1024xf32, #tpu.memory_space<vmem>> -> memref<1x1024xf32, #tpu.memory_space<vmem>>
      %dma_start3A_41 = tpu.memref_squeeze %dma_start3A_40 : memref<1x1024xf32, #tpu.memory_space<vmem>> -> memref<1024xf32, #tpu.memory_space<vmem>>
      tpu.enqueue_dma source(%dma_start3A_41 : memref<1024xf32, #tpu.memory_space<vmem>>) target(%dma_start3A_38 : memref<1024xf32, #tpu.memory_space<hbm>>) target_semaphore(%run_scoped3A_32 : memref<!tpu.dma_semaphore, #tpu.memory_space<semaphore_mem>>)
      %dma_wait3A = arith.constant 0 : i32
      %dma_wait3A_42 = tpu.memref_slice %arg6[%run_scoped3A_28, %dma_wait3A] : memref<2x1024xf32, #tpu.memory_space<vmem>> -> memref<1x1024xf32, #tpu.memory_space<vmem>>
      %dma_wait3A_43 = tpu.memref_squeeze %dma_wait3A_42 : memref<1x1024xf32, #tpu.memory_space<vmem>> -> memref<1024xf32, #tpu.memory_space<vmem>>
      %dma_wait3A_44 = tpu.memref_slice %arg3[%run_scoped3A_29, %mul3A_2] : memref<2x32768xf32, #tpu.memory_space<hbm>> -> memref<1x1024xf32, #tpu.memory_space<hbm>>
      %dma_wait3A_45 = tpu.memref_squeeze %dma_wait3A_44 : memref<1x1024xf32, #tpu.memory_space<hbm>> -> memref<1024xf32, #tpu.memory_space<hbm>>
      %dma_wait3A_46 = tpu.memref_slice %arg3[%run_scoped3A_29, %mul3A_2] : memref<2x32768xf32, #tpu.memory_space<hbm>> -> memref<1x1024xf32, #tpu.memory_space<hbm>>
      %dma_wait3A_47 = tpu.memref_squeeze %dma_wait3A_46 : memref<1x1024xf32, #tpu.memory_space<hbm>> -> memref<1024xf32, #tpu.memory_space<hbm>>
      %dma_wait3A_48 = arith.constant 0 : i32
      %dma_wait3A_49 = tpu.memref_slice %arg6[%run_scoped3A_28, %dma_wait3A_48] : memref<2x1024xf32, #tpu.memory_space<vmem>> -> memref<1x1024xf32, #tpu.memory_space<vmem>>
      %dma_wait3A_50 = tpu.memref_squeeze %dma_wait3A_49 : memref<1x1024xf32, #tpu.memory_space<vmem>> -> memref<1024xf32, #tpu.memory_space<vmem>>
      tpu.wait_dma2 semaphore(%run_scoped3A_32 : memref<!tpu.dma_semaphore, #tpu.memory_space<semaphore_mem>>) src(%dma_wait3A_50 : memref<1024xf32, #tpu.memory_space<vmem>>) dst(%dma_wait3A_47 : memref<1024xf32, #tpu.memory_space<hbm>>)
      tpu.yield
    }) : () -> ()
    %run_scoped3A_30 = arith.constant 1 : i32
    %run_scoped3A_31 = arith.constant 1 : i32
    "tpu.region"() ({
      %run_scoped3A_32 = tpu.sem_alloc : memref<!tpu.dma_semaphore, #tpu.memory_space<semaphore_mem>>
      %dma_start3A = arith.constant 0 : i32
      %dma_start3A_33 = tpu.memref_slice %arg7[%run_scoped3A_30, %dma_start3A] : memref<2x1024xi32, #tpu.memory_space<vmem>> -> memref<1x1024xi32, #tpu.memory_space<vmem>>
      %dma_start3A_34 = tpu.memref_squeeze %dma_start3A_33 : memref<1x1024xi32, #tpu.memory_space<vmem>> -> memref<1024xi32, #tpu.memory_space<vmem>>
      %dma_start3A_35 = tpu.memref_slice %arg4[%run_scoped3A_31, %mul3A_2] : memref<2x32768xi32, #tpu.memory_space<hbm>> -> memref<1x1024xi32, #tpu.memory_space<hbm>>
      %dma_start3A_36 = tpu.memref_squeeze %dma_start3A_35 : memref<1x1024xi32, #tpu.memory_space<hbm>> -> memref<1024xi32, #tpu.memory_space<hbm>>
      %dma_start3A_37 = tpu.memref_slice %arg4[%run_scoped3A_31, %mul3A_2] : memref<2x32768xi32, #tpu.memory_space<hbm>> -> memref<1x1024xi32, #tpu.memory_space<hbm>>
      %dma_start3A_38 = tpu.memref_squeeze %dma_start3A_37 : memref<1x1024xi32, #tpu.memory_space<hbm>> -> memref<1024xi32, #tpu.memory_space<hbm>>
      %dma_start3A_39 = arith.constant 0 : i32
      %dma_start3A_40 = tpu.memref_slice %arg7[%run_scoped3A_30, %dma_start3A_39] : memref<2x1024xi32, #tpu.memory_space<vmem>> -> memref<1x1024xi32, #tpu.memory_space<vmem>>
      %dma_start3A_41 = tpu.memref_squeeze %dma_start3A_40 : memref<1x1024xi32, #tpu.memory_space<vmem>> -> memref<1024xi32, #tpu.memory_space<vmem>>
      tpu.enqueue_dma source(%dma_start3A_41 : memref<1024xi32, #tpu.memory_space<vmem>>) target(%dma_start3A_38 : memref<1024xi32, #tpu.memory_space<hbm>>) target_semaphore(%run_scoped3A_32 : memref<!tpu.dma_semaphore, #tpu.memory_space<semaphore_mem>>)
      %dma_wait3A = arith.constant 0 : i32
      %dma_wait3A_42 = tpu.memref_slice %arg7[%run_scoped3A_30, %dma_wait3A] : memref<2x1024xi32, #tpu.memory_space<vmem>> -> memref<1x1024xi32, #tpu.memory_space<vmem>>
      %dma_wait3A_43 = tpu.memref_squeeze %dma_wait3A_42 : memref<1x1024xi32, #tpu.memory_space<vmem>> -> memref<1024xi32, #tpu.memory_space<vmem>>
      %dma_wait3A_44 = tpu.memref_slice %arg4[%run_scoped3A_31, %mul3A_2] : memref<2x32768xi32, #tpu.memory_space<hbm>> -> memref<1x1024xi32, #tpu.memory_space<hbm>>
      %dma_wait3A_45 = tpu.memref_squeeze %dma_wait3A_44 : memref<1x1024xi32, #tpu.memory_space<hbm>> -> memref<1024xi32, #tpu.memory_space<hbm>>
      %dma_wait3A_46 = tpu.memref_slice %arg4[%run_scoped3A_31, %mul3A_2] : memref<2x32768xi32, #tpu.memory_space<hbm>> -> memref<1x1024xi32, #tpu.memory_space<hbm>>
      %dma_wait3A_47 = tpu.memref_squeeze %dma_wait3A_46 : memref<1x1024xi32, #tpu.memory_space<hbm>> -> memref<1024xi32, #tpu.memory_space<hbm>>
      %dma_wait3A_48 = arith.constant 0 : i32
      %dma_wait3A_49 = tpu.memref_slice %arg7[%run_scoped3A_30, %dma_wait3A_48] : memref<2x1024xi32, #tpu.memory_space<vmem>> -> memref<1x1024xi32, #tpu.memory_space<vmem>>
      %dma_wait3A_50 = tpu.memref_squeeze %dma_wait3A_49 : memref<1x1024xi32, #tpu.memory_space<vmem>> -> memref<1024xi32, #tpu.memory_space<vmem>>
      tpu.wait_dma2 semaphore(%run_scoped3A_32 : memref<!tpu.dma_semaphore, #tpu.memory_space<semaphore_mem>>) src(%dma_wait3A_50 : memref<1024xi32, #tpu.memory_space<vmem>>) dst(%dma_wait3A_47 : memref<1024xi32, #tpu.memory_space<hbm>>)
      tpu.yield
    }) : () -> ()
    return
  }
}

module attributes {stable_mosaic.version = 14 : i64} {
  func.func @_probs_kernel(%arg0: i32, %arg1: memref<4096x768xf32, #tpu.memory_space<vmem>>, %arg2: memref<8x768xf32, #tpu.memory_space<vmem>>, %arg3: memref<8x4096xf32, #tpu.memory_space<vmem>>) attributes {dimension_semantics = [#tpu.dimension_semantics<arbitrary>], iteration_bounds = array<i64: 8>, scalar_prefetch = 0 : i64, scratch_operands = 0 : i64, tpu.core_type = #tpu.core_type<tc>, window_params = [{transform_indices = @transform_0, window_bounds = array<i64: 4096, 768>}, {pipeline_mode = #tpu.pipeline_mode<synchronous>, transform_indices = @transform_1, window_bounds = array<i64: 8, 768>}, {transform_indices = @transform_2, window_bounds = array<i64: 8, 4096>}]} {
    %get3A = arith.constant 0 : index
    %get3A_0 = arith.constant 0 : index
    %get3A_1 = vector.load %arg1[%get3A, %get3A_0] : memref<4096x768xf32, #tpu.memory_space<vmem>>, vector<4096x768xf32>
    %get3A_2 = arith.constant 0 : index
    %get3A_3 = arith.constant 0 : index
    %get3A_4 = vector.load %arg2[%get3A_2, %get3A_3] : memref<8x768xf32, #tpu.memory_space<vmem>>, vector<8x768xf32>
    %dot_general3A = arith.constant dense<0.000000e+00> : vector<8x4096xf32>
    %dot_general3A_5 = tpu.matmul %get3A_4, %get3A_1, %dot_general3A {dimension_numbers = #tpu.dot_dimension_numbers<[1], [1], [0], [0], [0, 0, 1, 0], [], []>, transpose_lhs_hint = false} : vector<8x768xf32>, vector<4096x768xf32>, vector<8x4096xf32> -> vector<8x4096xf32>
    %reduce_max3A = arith.constant dense<0xFF800000> : vector<4096xf32>
    %reduce_max3A_6 = vector.multi_reduction <maximumf>, %dot_general3A_5, %reduce_max3A [0] : vector<8x4096xf32> to vector<4096xf32>
    %broadcast_in_dim3A = vector.shape_cast %reduce_max3A_6 : vector<4096xf32> to vector<1x4096xf32>
    %sub3A = vector.broadcast %broadcast_in_dim3A : vector<1x4096xf32> to vector<8x4096xf32>
    %sub3A_7 = arith.subf %dot_general3A_5, %sub3A : vector<8x4096xf32>
    %exp3A = math.exp %sub3A_7 : vector<8x4096xf32>
    %reduce_sum3A = arith.constant dense<0.000000e+00> : vector<4096xf32>
    %reduce_sum3A_8 = vector.multi_reduction <add>, %exp3A, %reduce_sum3A [0] : vector<8x4096xf32> to vector<4096xf32>
    %broadcast_in_dim3A_9 = vector.shape_cast %reduce_sum3A_8 : vector<4096xf32> to vector<1x4096xf32>
    %div3A = vector.broadcast %broadcast_in_dim3A_9 : vector<1x4096xf32> to vector<8x4096xf32>
    %div3A_10 = arith.divf %exp3A, %div3A : vector<8x4096xf32>
    %swap3A = arith.constant 0 : index
    %swap3A_11 = arith.constant 0 : index
    %swap3A_12 = vector.load %arg3[%swap3A, %swap3A_11] : memref<8x4096xf32, #tpu.memory_space<vmem>>, vector<8x4096xf32>
    tpu.vector_store %arg3[%swap3A, %swap3A_11], %div3A_10 {strides = array<i32>} : memref<8x4096xf32, #tpu.memory_space<vmem>>, vector<8x4096xf32>,
    return
  }
  func.func @transform_0(%arg0: i32) -> (i32, i32) {
    %c0_i32 = arith.constant 0 : i32
    %c0_i32_0 = arith.constant 0 : i32
    return %arg0, %c0_i32 : i32, i32
  }
  func.func @transform_1(%arg0: i32) -> (i32, i32) {
    %c0_i32 = arith.constant 0 : i32
    %c0_i32_0 = arith.constant 0 : i32
    %c0_i32_1 = arith.constant 0 : i32
    return %c0_i32, %c0_i32_0 : i32, i32
  }
  func.func @transform_2(%arg0: i32) -> (i32, i32) {
    %c0_i32 = arith.constant 0 : i32
    %c0_i32_0 = arith.constant 0 : i32
    return %c0_i32, %arg0 : i32, i32
  }
}

</mosaic_0001>

<sc_bundles>
// kernel: kernel.4.cloned.1.call-start
scs
__scs_entry_jumppad:
0x0: {  	(pc) =	sbr.rel $0x88, $3  }
0x1: {  	(tag) =	ssettag $0x0;
	lr =	simm.s32 $0x1  }
0x2: {  	[smem:$0x3F9F] =	sst lr;
	_ =	strace $0xD0000000  }
0x3: {  	_ = 	snop  }
0x4: {  	_ = 	snop  }
0x5: {  	_ = 	snop  }
0x6: {  	_ = 	snop  }
0x7: {  	_ = 	snop  }
__scs_overlays_trampoline_lowered:
0x8: {  	[smem:$0x3FAE] =	sst s0  }
0x9: {  	[smem:$0x3FAF] =	sst s1  }
0xa: {  	[smem:$0x3FB0] =	sst s2  }
0xb: {  	[smem:$0x3FB1] =	sst s3  }
0xc: {  	[smem:$0x3FB2] =	sst s4  }
0xd: {  	[smem:$0x3FB3] =	sst s5  }
0xe: {  	[smem:$0x3FB4] =	sst s6  }
0xf: {  	[smem:$0x3FB5] =	sst s7  }
0x10: {  	[smem:$0x3FB6] =	sst s8  }
0x11: {  	[smem:$0x3FB7] =	sst s9;
	s0 =	simm.s32 @!p0 $0x0  }
0x12: {  	s1 =	sld [smem:$0x3F9D];
	s0 =	simm.s32 @p0 $0x1  }
0x13: {  	[smem:$0x3FB8] =	sst s0;
	s0 =	simm.s32 @!p1 $0x0  }
0x14: {  	s2 =	sld [smem:$0x3F9C];
	s0 =	simm.s32 @p1 $0x1  }
0x15: {  	[smem:$0x3FB9] =	sst s0;
	s0 =	simm.s32 @!p2 $0x0  }
0x16: {  	s3 =	sld [smem:$0x3FDB];
	s0 =	simm.s32 @p2 $0x1  }
0x17: {  	s4 =	simm.s32 $0x1BF5;
	[smem:$0x3FBB] =	sst s0  }
0x18: {  	s0 =	sld [smem:$0x3F9E];
	_ =	swait.ge [sflag:s4], $0x0  }
0x19: {  	s7 =	sld [smem:$0x3F9F]  }
0x1a: {  	s8 =	sadd.s32 $0xFFFFE003, lr  }
0x1b: {  	s9 =	sadd.s32 $0xFFFFFEF7, lr;
	s5 =	simm.s32 $0xFFFFFFFF;
	p2 =	slt.u32 s8, $0xFFFFF086  }
0x1c: {  	p1 =	slt.u32 s9, $0xF7A;
	s5 =	simm.s32 @!p2 $0x0  }
0x1d: {  	s5 =	simm.s32 @p1 $0x1;
	p0 =	seq.s32 s7, s2  }
0x1e: {  	s7 =	smul.u32 @!p0 $0xF7A, s2;
	p2 =	seq.s32 @!p0 s5, $0x0  }
0x1f: {  	s9 =	smul.u32 $0xF7A, s1;
	s8 =	simm.s32 @!p0 $0x1BF5;
	p2 =	por !p2, p0  }
0x20: {  	[sflag:s8] =	ssyncset.s32 @!p0 $0xFFFFF086;
	s6 =	sadd.s32 @!p0 s3, s7;
	s7 =	simm.s32 @!p0 $0x108  }
0x21: {  	s3 =	sadd.s32 s3, s9;
	s6 =	sadd.s32 @!p0 $0x88, s6;
	s7 =	simm.s32 @p2 $0x1082  }
0x22: {  	[simem:s7], [sflag:s8] =	dma.local @!p0 [hbm:s6], $0xF7A  }
0x23: {  	s9 =	sor.u32 $0xD0000000, s2;
	s6 =	simm.s32 $0x108;
	_ =	swait.ge @!p0 [sflag:s8], $0x0  }
0x24: {  	s3 =	sadd.s32 $0x88, s3;
	s6 =	simm.s32 @!p1 $0x1082;
	[sflag:s4] =	ssyncset.s32 $0xFFFFF086  }
0x25: {  	[simem:s6], [sflag:s4] =	dma.local [hbm:s3], $0xF7A  }
0x26: {  	[smem:$0x3F9F] =	sst s1;
	(tag) =	ssettag s2;
	_ =	strace s9  }
0x27: {  	s1 =	sld [smem:$0x3FAF]  }
0x28: {  	s2 =	sld [smem:$0x3FB0]  }
0x29: {  	s4 =	sld [smem:$0x3FB2]  }
0x2a: {  	p0 =	seq.s32 s5, $0x0;
	s5 =	sld [smem:$0x3FB3]  }
0x2b: {  	s6 =	sld [smem:$0x3FB4]  }
0x2c: {  	s7 =	sld [smem:$0x3FB5]  }
0x2d: {  	s3 =	simm.s32 $0x108;
	s8 =	sld [smem:$0x3FB6]  }
0x2e: {  	s3 =	simm.s32 @!p0 $0x1082;
	s9 =	sld [smem:$0x3FB7]  }
0x2f: {  	lr =	sadd.s32 s0, s3;
	s0 =	sld [smem:$0x3FAE]  }
0x30: {  	s3 =	sld [smem:$0x3FB1]  }
0x31: {  	[smem:$0x3FBA] =	sst s10  }
0x32: {  	s10 =	sld [smem:$0x3FB8];
	_ =	sdelay $0x3  }
0x33: {  	p0 =	seq.s32 s10, $0x1;
	s10 =	sld [smem:$0x3FBA];
	_ =	sdelay $0x3  }
0x34: {  	[smem:$0x3FBA] =	sst s10  }
0x35: {  	s10 =	sld [smem:$0x3FB9];
	_ =	sdelay $0x3  }
0x36: {  	p1 =	seq.s32 s10, $0x1;
	s10 =	sld [smem:$0x3FBA];
	_ =	sdelay $0x3  }
0x37: {  	[smem:$0x3FBA] =	sst s10  }
0x38: {  	s10 =	sld [smem:$0x3FBB]  }
0x39: {  	_ = 	snop;
	(pc) =	sbr.ind lr, $3  }
0x3a: {  	_ = 	snop  }
0x3b: {  	_ = 	snop  }
0x3c: {  	p2 =	seq.s32 s10, $0x1;
	s10 =	sld [smem:$0x3FBA]  }
0x3d: {  	_ =	shalt  }
0x3e: {  	_ =	shalt  }
0x3f: {  	_ =	shalt  }
0x40: {  	_ =	shalt  }
0x41: {  	_ =	shalt  }
0x42: {  	_ =	shalt  }
0x43: {  	_ =	shalt  }
0x44: {  	_ =	shalt  }
0x45: {  	_ =	shalt  }
0x46: {  	_ =	shalt  }
0x47: {  	_ =	shalt  }
0x48: {  	_ =	shalt  }
0x49: {  	_ =	shalt  }
0x4a: {  	_ =	shalt  }
0x4b: {  	_ =	shalt  }
0x4c: {  	_ =	shalt  }
0x4d: {  	_ =	shalt  }
0x4e: {  	_ =	shalt  }
0x4f: {  	_ =	shalt  }
0x50: {  	_ =	shalt  }
0x51: {  	_ =	shalt  }
0x52: {  	_ =	shalt  }
0x53: {  	_ =	shalt  }
0x54: {  	_ =	shalt  }
0x55: {  	_ =	shalt  }
0x56: {  	_ =	shalt  }
0x57: {  	_ =	shalt  }
0x58: {  	_ =	shalt  }
0x59: {  	_ =	shalt  }
0x5a: {  	_ =	shalt  }
0x5b: {  	_ =	shalt  }
0x5c: {  	_ =	shalt  }
0x5d: {  	_ =	shalt  }
0x5e: {  	_ =	shalt  }
0x5f: {  	_ =	shalt  }
0x60: {  	_ =	shalt  }
0x61: {  	_ =	shalt  }
0x62: {  	_ =	shalt  }
0x63: {  	_ =	shalt  }
0x64: {  	_ =	shalt  }
0x65: {  	_ =	shalt  }
0x66: {  	_ =	shalt  }
0x67: {  	_ =	shalt  }
0x68: {  	_ =	shalt  }
0x69: {  	_ =	shalt  }
0x6a: {  	_ =	shalt  }
0x6b: {  	_ =	shalt  }
0x6c: {  	_ =	shalt  }
0x6d: {  	_ =	shalt  }
0x6e: {  	_ =	shalt  }
0x6f: {  	_ =	shalt  }
0x70: {  	_ =	shalt  }
0x71: {  	_ =	shalt  }
0x72: {  	_ =	shalt  }
0x73: {  	_ =	shalt  }
0x74: {  	_ =	shalt  }
0x75: {  	_ =	shalt  }
0x76: {  	_ =	shalt  }
0x77: {  	_ =	shalt  }
0x78: {  	_ =	shalt  }
0x79: {  	_ =	shalt  }
0x7a: {  	_ =	shalt  }
0x7b: {  	_ =	shalt  }
0x7c: {  	_ =	shalt  }
0x7d: {  	_ =	shalt  }
0x7e: {  	_ =	shalt  }
0x7f: {  	_ =	shalt  }
0x80: {  	_ =	shalt  }
0x81: {  	_ =	shalt  }
0x82: {  	_ =	shalt  }
0x83: {  	_ =	shalt  }
0x84: {  	_ =	shalt  }
0x85: {  	_ =	shalt  }
0x86: {  	_ =	shalt  }
0x87: {  	_ =	shalt  }
.Lfunc_end0:
.L_simem_size_0:
called_computation_lowered:
.L_overlay_start_0:
0x88: {  	s2 =	sld [smem:$0x3FD9]  }
0x89: {  	s3 =	sld [smem:$0x3FFE];
	_ =	sdelay $0x1  }
0x8a: {  	s1 =	srdreg.scid  }
0x8b: {  	s0 =	sand.u32 $0x1, s1  }
0x8c: {  	s15 =	sshll.u32 s0, $0xA;
	s2 =	sadd.s32 s3, s2  }
0x8d: {  	s2 =	sadd.s32 s2, s15  }
0x8e: {  	[smem:$0x3FC6] =	sst s2  }
0x8f: {  	_ = 	snop  }
0x90: {  	s2 =	sld [smem:$0x3FD0];
	_ =	sdelay $0x2  }
0x91: {  	s16 =	simm.s32 $0xA;
	s4 =	simm.s32 $0x10  }
0x92: {  	[smem:s4], [sflag:s16] =	dma.local [hbm:s2], $0x1  }
0x93: {  	_ =	swait.eq [sflag:s16], $0x1  }
0x94: {  	s17 =	sld [smem:$0x10];
	[sflag:s16] =	ssyncset.done $0x0  }
0x95: {  	s18 =	sld [smem:$0x11];
	[sflag:s16] =	ssyncadd.s32 $0xFFFFFFFF  }
0x96: {  	s19 =	sld [smem:$0x12];
	(tm) =	ssettm $0x1  }
0x97: {  	s5 =	sld [smem:$0x3FFB];
	_ =	sdelay $0x3  }
0x98: {  	_ =	strace s5  }
0x99: {  	s5 =	sld [smem:$0x3FFC];
	_ =	sdelay $0x3  }
0x9a: {  	_ =	strace s5  }
0x9b: {  	s5 =	sld [smem:$0x3FFD];
	_ =	sdelay $0x3  }
0x9c: {  	_ =	strace s5  }
0x9d: {  	_ =	strace $0x8FFFFFFF  }
0x9e: {  	s20 =	sld [smem:$0x3FDB];
	_ =	sdelay $0x1  }
0x9f: {  	s6 =	simm.s32 $_scs_section_size  }
0xa0: {  	s7 =	simm.s32 $_size__tile_overlayer_lowered;
	s8 =	simm.s32 $_tile_overlayer_lowered  }
0xa1: {  	s23 =	simm.s32 $0x1BFF;
	s22 =	sshll.u32 s8, $0x1;
	s5 =	sadd.s32 s6, s20  }
0xa2: {  	s9 =	simm.s32 $0x0;
	s21 =	sshll.u32 s7, $0x1;
	s7 =	sadd.s32 s22, s5  }
0xa3: {  	[timem:s9], [sflag:s23] =	dma.local [hbm:s7], s21  }
0xa4: {  	_ =	swait.ge [sflag:s23], s21  }
0xa5: {  	s6 =	ssub.s32 $0x0, s21;
	[sflag:s23] =	ssyncset.done $0x0  }
0xa6: {  	[sflag:s23] =	ssyncadd.s32 s6;
	_ =	sdelay $0x1  }
0xa7: {  	s24 =	simm.s32 $0x1B8B  }
0xa8: {  	_ =	swait.ge [sflag:s24], $0x1  }
0xa9: {  	[sflag:s24] =	ssyncset.done $0x0  }
0xaa: {  	s25 =	simm.s32 $0x1B8E;
	[sflag:s24] =	ssyncadd.s32 $0xFFFFFFFF  }
0xab: {  	s26 =	simm.s32 $execute0_lowered;
	[smem:$0x3FD2] =	sst s25  }
0xac: {  	s6 =	sshll.u32 s26, $0x1;
	_ =	strace $0x80000046;
	[dreg:$0x1] =	wrdreg $0xFFFFFFFF  }
0xad: {  	s28 =	simm.s32 $_size_execute0_lowered;
	s5 =	sadd.s32 s5, s6;
	[dreg:$0x0] =	wrdreg $0x0  }
0xae: {  	s6 =	sshll.u32 s28, $0x1;
	[dreg:$0x2] =	wrdreg s5  }
0xaf: {  	[dreg:$0x3] =	wrdreg s6  }
0xb0: {  	[dreg:$0x4] =	wrdreg $0xC0  }
0xb1: {  	_ =	task [dreg:s9], $0x5FFFF  }
0xb2: {  	[dreg:$0x1] =	wrdreg $0xFFFFFFFF  }
0xb3: {  	[dreg:$0x0] =	wrdreg $0x60  }
0xb4: {  	[dreg:$0x2] =	wrdreg s19  }
0xb5: {  	[dreg:$0x3] =	wrdreg s17  }
0xb6: {  	[dreg:$0x4] =	wrdreg s18  }
0xb7: {  	[dreg:$0x5] =	wrdreg $0x9  }
0xb8: {  	_ =	task.clear_ibuf [dreg:s9], $0x6FFFF;
	_ =	strace $0x90000046  }
0xb9: {  	s29 =	simm.s32 $0x9;
	_ =	strace $0x80000048  }
0xba: {  	_ =	swait.ge [sflag:s29], $0x1  }
0xbb: {  	[sflag:s29] =	ssyncadd.s32 $0xFFFFFFFF  }
0xbc: {  	_ =	strace $0x90000048  }
0xbd: {  	_ =	sfence  }
0xbe: {  	s30 =	sld [smem:$0x0];
	_ =	sdelay $0x2  }
0xbf: {  	s31 =	sshll.u32 s1, $0xD;
	s1 =	sshrl.u32 s1, $0x2  }
0xc0: {  	s3 =	sand.u32 $0x4000, s31;
	s1 =	sadd.s32 s1, s30  }
0xc1: {  	s0 =	sor.u32 s3, s0;
	s1 =	sshll.u32 s1, $0x11  }
0xc2: {  	s0 =	sor.u32 s1, s0  }
0xc3: {  	s0 =	sadd.s32 $0x8F2B, s0  }
0xc4: {  	[sflag:s0] =	ssyncadd.remote.s32 $0x1  }
0xc5: {  	_ =	sfence.sel $0xFFFF  }
0xc6: {  	[dreg:$0x0] =	wrdreg $0xFFFFFFFF;
	(pc) =	sbr.abs _section_cstart, $3  }
0xc7: {  	[dreg:$0x1] =	wrdreg $0xFFFFFFFF  }
0xc8: {  	_ =	task.clear_ibuf [dreg:s9], $0x2FFFF;
	_ =	strace $0x9FFFFFFF  }
0xc9: {  	(tm) =	ssettm $0x7FFFFFFF  }
tec
execute0_lowered:
.L_overlay_start_1:
0x0: {  	(tag) =	ssettag $0x1  }
0x1: {  	s0 =	rddreg [dreg:$0x0]  }
0x2: {  	s1 =	rddreg [dreg:$0x1]  }
0x3: {  	s2 =	srdreg.scid;
	s14 =	rddreg [dreg:$0x2]  }
0x4: {  	s4 =	stileid.u32;
	s31 =	simm.s32 $0x1;
	s28 =	simm.s32 $0x2F80  }
0x5: {  	s29 =	simm.s32 $0x0;
	s3 =	sand.u32 $0x1, s2;
	s4 =	sshll.u32 s4, $0xB  }
0x6: {  	s2 =	simm.s32 $0x0;
	s5 =	sshll.u32 s3, $0xA;
	s6 =	ssub.s32 $0x2, s3  }
0x7: {  	[smem:$0x7FF] =	sst s2;
	s10 =	sor.u32 s5, s4;
	s26 =	sshrl.u32 s6, $0x1  }
0x8: {  	_ =	strace $0x80000047;
	s3 =	sadd.s32 s0, s10;
	s30 =	ssub.s32 s6, s26  }
0x9: {  	s12 =	sshrl.u32 s10, $0x2;
	s4 =	sadd.s32 $0x10, s3;
	s5 =	sadd.s32 $0x20, s3  }
0xa: {  	s6 =	sadd.s32 $0x30, s3;
	s7 =	sadd.s32 $0x40, s3;
	s8 =	sadd.s32 $0x50, s3  }
0xb: {  	s9 =	sadd.s32 $0x60, s3;
	s10 =	sadd.s32 $0x70, s3;
	s11 =	sadd.s32 s1, s12  }
0xc: {  	s15 =	sor.u32 $0x10, s12;
	s12 =	sadd.s32 s14, s12;
	s16 =	sadd.s32 $0x80, s3  }
0xd: {  	s17 =	sadd.s32 $0x100, s3;
	s18 =	sadd.s32 $0x180, s3;
	s19 =	sadd.s32 $0x200, s3  }
0xe: {  	s20 =	sadd.s32 $0x280, s3;
	s21 =	sadd.s32 $0x300, s3;
	s22 =	sadd.s32 $0x380, s3  }
0xf: {  	v0 =	vimm.s32 $0x0;
	s13 =	sadd.s32 s1, s15;
	s14 =	sadd.s32 s14, s15;
	s15 =	smax.u32 s30, $0x1  }
.LBB2_1:
0x10: {  	[tilespmem:s2], [sflag:$0x1] =	stream.linear.gather [hbm4b:s3+s2], $0x80, $0x38;
	[tilespmem:$0x3000] =	vst v63  }
0x11: {  	s0 =	simm.s32 $0x400  }
0x12: {  	[tilespmem:s0], [sflag:$0x1] =	stream.linear.gather [hbm4b:s16+s2], $0x80, $0x38;
	[tilespmem:$0x3000] =	vst v63  }
0x13: {  	s1 =	simm.s32 $0x800  }
0x14: {  	[tilespmem:s1], [sflag:$0x1] =	stream.linear.gather [hbm4b:s17+s2], $0x80, $0x38;
	[tilespmem:$0x3000] =	vst v63  }
0x15: {  	s23 =	simm.s32 $0xC00  }
0x16: {  	[tilespmem:s23], [sflag:$0x1] =	stream.linear.gather [hbm4b:s18+s2], $0x80, $0x38;
	[tilespmem:$0x3000] =	vst v63  }
0x17: {  	s24 =	simm.s32 $0x1000  }
0x18: {  	[tilespmem:s24], [sflag:$0x1] =	stream.linear.gather [hbm4b:s19+s2], $0x80, $0x38;
	[tilespmem:$0x3000] =	vst v63  }
0x19: {  	s25 =	simm.s32 $0x1400  }
0x1a: {  	[tilespmem:s25], [sflag:$0x1] =	stream.linear.gather [hbm4b:s20+s2], $0x80, $0x38;
	[tilespmem:$0x3000] =	vst v63  }
0x1b: {  	s26 =	simm.s32 $0x1800  }
0x1c: {  	[tilespmem:s26], [sflag:$0x1] =	stream.linear.gather [hbm4b:s21+s2], $0x80, $0x38;
	[tilespmem:$0x3000] =	vst v63  }
0x1d: {  	s1 =	simm.s32 $0x1C00  }
0x1e: {  	[tilespmem:s1], [sflag:$0x1] =	stream.linear.gather [hbm4b:s22+s2], $0x80, $0x38;
	[tilespmem:$0x3000] =	vst v63  }
0x1f: {  	_ =	swait.ge [sflag:s31], $0x400  }
0x20: {  	[sflag:s31] =	ssyncset.done $0x0  }
0x21: {  	s23 =	simm.s32 $0x80;
	[sflag:s31] =	ssyncadd.s32 $0xFFFFFC00  }
0x22: {  	[tilespmem:s23], [sflag:$0x1] =	stream.linear.gather [hbm4b:s4+s2], $0x80, $0x38;
	[tilespmem:$0x3000] =	vst v63  }
0x23: {  	s24 =	sadd.s32 $0x80, s4;
	s1 =	simm.s32 $0x480  }
0x24: {  	[tilespmem:s1], [sflag:$0x1] =	stream.linear.gather [hbm4b:s24+s2], $0x80, $0x38;
	[tilespmem:$0x3000] =	vst v63  }
0x25: {  	s25 =	sadd.s32 $0x100, s4;
	s26 =	simm.s32 $0x880  }
0x26: {  	[tilespmem:s26], [sflag:$0x1] =	stream.linear.gather [hbm4b:s25+s2], $0x80, $0x38;
	[tilespmem:$0x3000] =	vst v63  }
0x27: {  	s23 =	sadd.s32 $0x180, s4;
	s24 =	simm.s32 $0xC80  }
0x28: {  	[tilespmem:s24], [sflag:$0x1] =	stream.linear.gather [hbm4b:s23+s2], $0x80, $0x38;
	[tilespmem:$0x3000] =	vst v63  }
0x29: {  	s25 =	sadd.s32 $0x200, s4;
	s26 =	simm.s32 $0x1080  }
0x2a: {  	[tilespmem:s26], [sflag:$0x1] =	stream.linear.gather [hbm4b:s25+s2], $0x80, $0x38;
	[tilespmem:$0x3000] =	vst v63  }
0x2b: {  	s23 =	sadd.s32 $0x280, s4;
	s24 =	simm.s32 $0x1480  }
0x2c: {  	[tilespmem:s24], [sflag:$0x1] =	stream.linear.gather [hbm4b:s23+s2], $0x80, $0x38;
	[tilespmem:$0x3000] =	vst v63  }
0x2d: {  	s25 =	sadd.s32 $0x300, s4;
	s26 =	simm.s32 $0x1880  }
0x2e: {  	[tilespmem:s26], [sflag:$0x1] =	stream.linear.gather [hbm4b:s25+s2], $0x80, $0x38;
	[tilespmem:$0x3000] =	vst v63  }
0x2f: {  	s1 =	sadd.s32 $0x380, s4;
	s23 =	simm.s32 $0x1C80  }
0x30: {  	[tilespmem:s23], [sflag:$0x1] =	stream.linear.gather [hbm4b:s1+s2], $0x80, $0x38;
	[tilespmem:$0x3000] =	vst v63  }
0x31: {  	_ =	swait.ge [sflag:s31], $0x400  }
0x32: {  	[sflag:s31] =	ssyncset.done $0x0  }
0x33: {  	s24 =	simm.s32 $0x100;
	[sflag:s31] =	ssyncadd.s32 $0xFFFFFC00  }
0x34: {  	[tilespmem:s24], [sflag:$0x1] =	stream.linear.gather [hbm4b:s5+s2], $0x80, $0x38;
	[tilespmem:$0x3000] =	vst v63  }
0x35: {  	s25 =	sadd.s32 $0x80, s5;
	s26 =	simm.s32 $0x500  }
0x36: {  	[tilespmem:s26], [sflag:$0x1] =	stream.linear.gather [hbm4b:s25+s2], $0x80, $0x38;
	[tilespmem:$0x3000] =	vst v63  }
0x37: {  	s23 =	sadd.s32 $0x100, s5;
	s24 =	simm.s32 $0x900  }
0x38: {  	[tilespmem:s24], [sflag:$0x1] =	stream.linear.gather [hbm4b:s23+s2], $0x80, $0x38;
	[tilespmem:$0x3000] =	vst v63  }
0x39: {  	s25 =	sadd.s32 $0x180, s5;
	s26 =	simm.s32 $0xD00  }
0x3a: {  	[tilespmem:s26], [sflag:$0x1] =	stream.linear.gather [hbm4b:s25+s2], $0x80, $0x38;
	[tilespmem:$0x3000] =	vst v63  }
0x3b: {  	s23 =	sadd.s32 $0x200, s5;
	s24 =	simm.s32 $0x1100  }
0x3c: {  	[tilespmem:s24], [sflag:$0x1] =	stream.linear.gather [hbm4b:s23+s2], $0x80, $0x38;
	[tilespmem:$0x3000] =	vst v63  }
0x3d: {  	s25 =	sadd.s32 $0x280, s5;
	s26 =	simm.s32 $0x1500  }
0x3e: {  	[tilespmem:s26], [sflag:$0x1] =	stream.linear.gather [hbm4b:s25+s2], $0x80, $0x38;
	[tilespmem:$0x3000] =	vst v63  }
0x3f: {  	s23 =	sadd.s32 $0x300, s5;
	s24 =	simm.s32 $0x1900  }
0x40: {  	[tilespmem:s24], [sflag:$0x1] =	stream.linear.gather [hbm4b:s23+s2], $0x80, $0x38;
	[tilespmem:$0x3000] =	vst v63  }
0x41: {  	s25 =	sadd.s32 $0x380, s5;
	s26 =	simm.s32 $0x1D00  }
0x42: {  	[tilespmem:s26], [sflag:$0x1] =	stream.linear.gather [hbm4b:s25+s2], $0x80, $0x38;
	[tilespmem:$0x3000] =	vst v63  }
0x43: {  	_ =	swait.ge [sflag:s31], $0x400  }
0x44: {  	[sflag:s31] =	ssyncset.done $0x0  }
0x45: {  	s1 =	simm.s32 $0x180;
	[sflag:s31] =	ssyncadd.s32 $0xFFFFFC00  }
0x46: {  	[tilespmem:s1], [sflag:$0x1] =	stream.linear.gather [hbm4b:s6+s2], $0x80, $0x38;
	[tilespmem:$0x3000] =	vst v63  }
0x47: {  	s23 =	sadd.s32 $0x80, s6;
	s24 =	simm.s32 $0x580  }
0x48: {  	[tilespmem:s24], [sflag:$0x1] =	stream.linear.gather [hbm4b:s23+s2], $0x80, $0x38;
	[tilespmem:$0x3000] =	vst v63  }
0x49: {  	s25 =	sadd.s32 $0x100, s6;
	s26 =	simm.s32 $0x980  }
0x4a: {  	[tilespmem:s26], [sflag:$0x1] =	stream.linear.gather [hbm4b:s25+s2], $0x80, $0x38;
	[tilespmem:$0x3000] =	vst v63  }
0x4b: {  	s23 =	sadd.s32 $0x180, s6;
	s24 =	simm.s32 $0xD80  }
0x4c: {  	[tilespmem:s24], [sflag:$0x1] =	stream.linear.gather [hbm4b:s23+s2], $0x80, $0x38;
	[tilespmem:$0x3000] =	vst v63  }
0x4d: {  	s25 =	sadd.s32 $0x200, s6;
	s26 =	simm.s32 $0x1180  }
0x4e: {  	[tilespmem:s26], [sflag:$0x1] =	stream.linear.gather [hbm4b:s25+s2], $0x80, $0x38;
	[tilespmem:$0x3000] =	vst v63  }
0x4f: {  	s23 =	sadd.s32 $0x280, s6;
	s24 =	simm.s32 $0x1580  }
0x50: {  	[tilespmem:s24], [sflag:$0x1] =	stream.linear.gather [hbm4b:s23+s2], $0x80, $0x38;
	[tilespmem:$0x3000] =	vst v63  }
0x51: {  	s25 =	sadd.s32 $0x300, s6;
	s26 =	simm.s32 $0x1980  }
0x52: {  	[tilespmem:s26], [sflag:$0x1] =	stream.linear.gather [hbm4b:s25+s2], $0x80, $0x38;
	[tilespmem:$0x3000] =	vst v63  }
0x53: {  	s1 =	sadd.s32 $0x380, s6;
	s23 =	simm.s32 $0x1D80  }
0x54: {  	[tilespmem:s23], [sflag:$0x1] =	stream.linear.gather [hbm4b:s1+s2], $0x80, $0x38;
	[tilespmem:$0x3000] =	vst v63  }
0x55: {  	_ =	swait.ge [sflag:s31], $0x400  }
0x56: {  	[sflag:s31] =	ssyncset.done $0x0  }
0x57: {  	s24 =	simm.s32 $0x200;
	[sflag:s31] =	ssyncadd.s32 $0xFFFFFC00  }
0x58: {  	[tilespmem:s24], [sflag:$0x1] =	stream.linear.gather [hbm4b:s7+s2], $0x80, $0x38;
	[tilespmem:$0x3000] =	vst v63  }
0x59: {  	s25 =	sadd.s32 $0x80, s7;
	s26 =	simm.s32 $0x600  }
0x5a: {  	[tilespmem:s26], [sflag:$0x1] =	stream.linear.gather [hbm4b:s25+s2], $0x80, $0x38;
	[tilespmem:$0x3000] =	vst v63  }
0x5b: {  	s23 =	sadd.s32 $0x100, s7;
	s24 =	simm.s32 $0xA00  }
0x5c: {  	[tilespmem:s24], [sflag:$0x1] =	stream.linear.gather [hbm4b:s23+s2], $0x80, $0x38;
	[tilespmem:$0x3000] =	vst v63  }
0x5d: {  	s25 =	sadd.s32 $0x180, s7;
	s26 =	simm.s32 $0xE00  }
0x5e: {  	[tilespmem:s26], [sflag:$0x1] =	stream.linear.gather [hbm4b:s25+s2], $0x80, $0x38;
	[tilespmem:$0x3000] =	vst v63  }
0x5f: {  	s23 =	sadd.s32 $0x200, s7;
	s24 =	simm.s32 $0x1200  }
0x60: {  	[tilespmem:s24], [sflag:$0x1] =	stream.linear.gather [hbm4b:s23+s2], $0x80, $0x38;
	[tilespmem:$0x3000] =	vst v63  }
0x61: {  	s25 =	sadd.s32 $0x280, s7;
	s26 =	simm.s32 $0x1600  }
0x62: {  	[tilespmem:s26], [sflag:$0x1] =	stream.linear.gather [hbm4b:s25+s2], $0x80, $0x38;
	[tilespmem:$0x3000] =	vst v63  }
0x63: {  	s23 =	sadd.s32 $0x300, s7;
	s24 =	simm.s32 $0x1A00  }
0x64: {  	[tilespmem:s24], [sflag:$0x1] =	stream.linear.gather [hbm4b:s23+s2], $0x80, $0x38;
	[tilespmem:$0x3000] =	vst v63  }
0x65: {  	s25 =	sadd.s32 $0x380, s7;
	s26 =	simm.s32 $0x1E00  }
0x66: {  	[tilespmem:s26], [sflag:$0x1] =	stream.linear.gather [hbm4b:s25+s2], $0x80, $0x38;
	[tilespmem:$0x3000] =	vst v63  }
0x67: {  	_ =	swait.ge [sflag:s31], $0x400  }
0x68: {  	[sflag:s31] =	ssyncset.done $0x0  }
0x69: {  	s1 =	simm.s32 $0x280;
	[sflag:s31] =	ssyncadd.s32 $0xFFFFFC00  }
0x6a: {  	[tilespmem:s1], [sflag:$0x1] =	stream.linear.gather [hbm4b:s8+s2], $0x80, $0x38;
	[tilespmem:$0x3000] =	vst v63  }
0x6b: {  	s23 =	sadd.s32 $0x80, s8;
	s24 =	simm.s32 $0x680  }
0x6c: {  	[tilespmem:s24], [sflag:$0x1] =	stream.linear.gather [hbm4b:s23+s2], $0x80, $0x38;
	[tilespmem:$0x3000] =	vst v63  }
0x6d: {  	s25 =	sadd.s32 $0x100, s8;
	s26 =	simm.s32 $0xA80  }
0x6e: {  	[tilespmem:s26], [sflag:$0x1] =	stream.linear.gather [hbm4b:s25+s2], $0x80, $0x38;
	[tilespmem:$0x3000] =	vst v63  }
0x6f: {  	s23 =	sadd.s32 $0x180, s8;
	s24 =	simm.s32 $0xE80  }
0x70: {  	[tilespmem:s24], [sflag:$0x1] =	stream.linear.gather [hbm4b:s23+s2], $0x80, $0x38;
	[tilespmem:$0x3000] =	vst v63  }
0x71: {  	s25 =	sadd.s32 $0x200, s8;
	s26 =	simm.s32 $0x1280  }
0x72: {  	[tilespmem:s26], [sflag:$0x1] =	stream.linear.gather [hbm4b:s25+s2], $0x80, $0x38;
	[tilespmem:$0x3000] =	vst v63  }
0x73: {  	s23 =	sadd.s32 $0x280, s8;
	s24 =	simm.s32 $0x1680  }
0x74: {  	[tilespmem:s24], [sflag:$0x1] =	stream.linear.gather [hbm4b:s23+s2], $0x80, $0x38;
	[tilespmem:$0x3000] =	vst v63  }
0x75: {  	s25 =	sadd.s32 $0x300, s8;
	s26 =	simm.s32 $0x1A80  }
0x76: {  	[tilespmem:s26], [sflag:$0x1] =	stream.linear.gather [hbm4b:s25+s2], $0x80, $0x38;
	[tilespmem:$0x3000] =	vst v63  }
0x77: {  	s1 =	sadd.s32 $0x380, s8;
	s23 =	simm.s32 $0x1E80  }
0x78: {  	[tilespmem:s23], [sflag:$0x1] =	stream.linear.gather [hbm4b:s1+s2], $0x80, $0x38;
	[tilespmem:$0x3000] =	vst v63  }
0x79: {  	_ =	swait.ge [sflag:s31], $0x400  }
0x7a: {  	[sflag:s31] =	ssyncset.done $0x0  }
0x7b: {  	s24 =	simm.s32 $0x300;
	[sflag:s31] =	ssyncadd.s32 $0xFFFFFC00  }
0x7c: {  	[tilespmem:s24], [sflag:$0x1] =	stream.linear.gather [hbm4b:s9+s2], $0x80, $0x38;
	[tilespmem:$0x3000] =	vst v63  }
0x7d: {  	s25 =	sadd.s32 $0x80, s9;
	s26 =	simm.s32 $0x700  }
0x7e: {  	[tilespmem:s26], [sflag:$0x1] =	stream.linear.gather [hbm4b:s25+s2], $0x80, $0x38;
	[tilespmem:$0x3000] =	vst v63  }
0x7f: {  	s23 =	sadd.s32 $0x100, s9;
	s24 =	simm.s32 $0xB00  }
0x80: {  	[tilespmem:s24], [sflag:$0x1] =	stream.linear.gather [hbm4b:s23+s2], $0x80, $0x38;
	[tilespmem:$0x3000] =	vst v63  }
0x81: {  	s25 =	sadd.s32 $0x180, s9;
	s26 =	simm.s32 $0xF00  }
0x82: {  	[tilespmem:s26], [sflag:$0x1] =	stream.linear.gather [hbm4b:s25+s2], $0x80, $0x38;
	[tilespmem:$0x3000] =	vst v63  }
0x83: {  	s23 =	sadd.s32 $0x200, s9;
	s24 =	simm.s32 $0x1300  }
0x84: {  	[tilespmem:s24], [sflag:$0x1] =	stream.linear.gather [hbm4b:s23+s2], $0x80, $0x38;
	[tilespmem:$0x3000] =	vst v63  }
0x85: {  	s25 =	sadd.s32 $0x280, s9;
	s26 =	simm.s32 $0x1700  }
0x86: {  	[tilespmem:s26], [sflag:$0x1] =	stream.linear.gather [hbm4b:s25+s2], $0x80, $0x38;
	[tilespmem:$0x3000] =	vst v63  }
0x87: {  	s23 =	sadd.s32 $0x300, s9;
	s24 =	simm.s32 $0x1B00  }
0x88: {  	[tilespmem:s24], [sflag:$0x1] =	stream.linear.gather [hbm4b:s23+s2], $0x80, $0x38;
	[tilespmem:$0x3000] =	vst v63  }
0x89: {  	s25 =	sadd.s32 $0x380, s9;
	s26 =	simm.s32 $0x1F00  }
0x8a: {  	[tilespmem:s26], [sflag:$0x1] =	stream.linear.gather [hbm4b:s25+s2], $0x80, $0x38;
	[tilespmem:$0x3000] =	vst v63  }
0x8b: {  	_ =	swait.ge [sflag:s31], $0x400  }
0x8c: {  	[sflag:s31] =	ssyncset.done $0x0  }
0x8d: {  	s1 =	simm.s32 $0x380;
	[sflag:s31] =	ssyncadd.s32 $0xFFFFFC00  }
0x8e: {  	[tilespmem:s1], [sflag:$0x1] =	stream.linear.gather [hbm4b:s10+s2], $0x80, $0x38;
	[tilespmem:$0x3000] =	vst v63  }
0x8f: {  	s23 =	sadd.s32 $0x80, s10;
	s24 =	simm.s32 $0x780  }
0x90: {  	[tilespmem:s24], [sflag:$0x1] =	stream.linear.gather [hbm4b:s23+s2], $0x80, $0x38;
	[tilespmem:$0x3000] =	vst v63  }
0x91: {  	s25 =	sadd.s32 $0x100, s10;
	s26 =	simm.s32 $0xB80  }
0x92: {  	[tilespmem:s26], [sflag:$0x1] =	stream.linear.gather [hbm4b:s25+s2], $0x80, $0x38;
	[tilespmem:$0x3000] =	vst v63  }
0x93: {  	s23 =	sadd.s32 $0x180, s10;
	s24 =	simm.s32 $0xF80  }
0x94: {  	[tilespmem:s24], [sflag:$0x1] =	stream.linear.gather [hbm4b:s23+s2], $0x80, $0x38;
	[tilespmem:$0x3000] =	vst v63  }
0x95: {  	s25 =	sadd.s32 $0x200, s10;
	s26 =	simm.s32 $0x1380  }
0x96: {  	[tilespmem:s26], [sflag:$0x1] =	stream.linear.gather [hbm4b:s25+s2], $0x80, $0x38;
	[tilespmem:$0x3000] =	vst v63  }
0x97: {  	s23 =	sadd.s32 $0x280, s10;
	s24 =	simm.s32 $0x1780  }
0x98: {  	[tilespmem:s24], [sflag:$0x1] =	stream.linear.gather [hbm4b:s23+s2], $0x80, $0x38;
	[tilespmem:$0x3000] =	vst v63  }
0x99: {  	s25 =	sadd.s32 $0x300, s10;
	s26 =	simm.s32 $0x1B80  }
0x9a: {  	[tilespmem:s26], [sflag:$0x1] =	stream.linear.gather [hbm4b:s25+s2], $0x80, $0x38;
	[tilespmem:$0x3000] =	vst v63  }
0x9b: {  	s1 =	sadd.s32 $0x380, s10;
	s23 =	simm.s32 $0x1F80  }
0x9c: {  	[tilespmem:s23], [sflag:$0x1] =	stream.linear.gather [hbm4b:s1+s2], $0x80, $0x38;
	[tilespmem:$0x3000] =	vst v63  }
0x9d: {  	s24 =	simm.s32 $0x0;
	_ =	swait.ge [sflag:s31], $0x400  }
0x9e: {  	s25 =	sand.u32 $0x70, s2;
	s1 =	sand.u32 $0x3FFFFC00, s24;
	[sflag:s31] =	ssyncset.done $0x0  }
0x9f: {  	s1 =	sor.u32 s25, s1;
	[sflag:s31] =	ssyncadd.s32 $0xFFFFFC00  }
0xa0: {  	v1 =	vld [tilespmem:s1+$0x0]  }
0xa1: {  	v2 =	vld [tilespmem:s1+$0x80];
	_ =	sdelay $0x1  }
0xa2: {  	v3 =	vld [tilespmem:s1+$0x100];
	_ =	sdelay $0x1  }
0xa3: {  	v4 =	vld [tilespmem:s1+$0x180]  }
0xa4: {  	vm0 =	vgt.f32 v2, v1  }
0xa5: {  	v5 =	vld [tilespmem:s1+$0x200];
	v6 =	vsel vm0, v2, v1  }
0xa6: {  	vm1 =	vgt.f32 v3, v6  }
0xa7: {  	v7 =	vld [tilespmem:s1+$0x280];
	v6 =	vsel vm1, v3, v6  }
0xa8: {  	vm2 =	vgt.f32 v4, v6  }
0xa9: {  	v8 =	vld [tilespmem:s1+$0x300];
	v6 =	vsel vm2, v4, v6  }
0xaa: {  	vm3 =	vgt.f32 v5, v6  }
0xab: {  	v9 =	vld [tilespmem:s1+$0x380];
	v6 =	vsel vm3, v5, v6  }
0xac: {  	v10 =	vsel vm0, $0x1, v0;
	vm7 =	vgt.f32 v7, v6  }
0xad: {  	v10 =	vsel vm1, $0x2, v10;
	v6 =	vsel vm7, v7, v6  }
0xae: {  	v10 =	vsel vm2, $0x3, v10;
	vm1 =	vgt.f32 v8, v6  }
0xaf: {  	v10 =	vsel vm3, $0x4, v10;
	v6 =	vsel vm1, v8, v6  }
0xb0: {  	v10 =	vsel vm7, $0x5, v10;
	vm8 =	vgt.f32 v9, v6  }
0xb1: {  	v10 =	vsel vm1, $0x6, v10;
	vm0 =	vmneg vm8  }
0xb2: {  	v10 =	vnsel vm0, $0x7, v10  }
0xb3: {  	vm9 =	veq.s32 v10, $0x0  }
0xb4: {  	v1 =	vsel vm9, $0xFF800000, v1  }
0xb5: {  	vm10 =	veq.s32 v10, $0x1;
	vm11 =	vgt.f32 v1, $-Inf  }
0xb6: {  	v2 =	vsel vm10, $0xFF800000, v2;
	v1 =	vnsel vm11, $0xFF800000, v1  }
0xb7: {  	vm12 =	veq.s32 v10, $0x2;
	vm3 =	vgt.f32 v2, v1  }
0xb8: {  	v3 =	vsel vm12, $0xFF800000, v3;
	v1 =	vsel vm3, v2, v1  }
0xb9: {  	vm13 =	veq.s32 v10, $0x3;
	vm4 =	vgt.f32 v3, v1  }
0xba: {  	v2 =	vsel vm13, $0xFF800000, v4;
	v1 =	vsel vm4, v3, v1  }
0xbb: {  	vm14 =	veq.s32 v10, $0x4;
	vm5 =	vgt.f32 v2, v1  }
0xbc: {  	v3 =	vsel vm14, $0xFF800000, v5;
	v1 =	vsel vm5, v2, v1  }
0xbd: {  	vm15 =	veq.s32 v10, $0x5;
	vm6 =	vgt.f32 v3, v1  }
0xbe: {  	v2 =	vsel vm15, $0xFF800000, v7;
	v1 =	vsel vm6, v3, v1  }
0xbf: {  	vm1 =	vmand vm1, vm0;
	vm2 =	vgt.f32 v2, v1  }
0xc0: {  	v3 =	vsel vm1, $0xFF800000, v8;
	v1 =	vsel vm2, v2, v1  }
0xc1: {  	vm1 =	vgt.f32 v3, v1  }
0xc2: {  	v2 =	vnsel vm0, $0xFF800000, v9;
	v1 =	vsel vm1, v3, v1  }
0xc3: {  	vm7 =	vgt.f32 v2, v1  }
0xc4: {  	v3 =	vsel vm0, v6, v9;
	v1 =	vsel vm7, v2, v1  }
0xc5: {  	v2 =	vadd.f32 v1, v3;
	_ =	sdelay $0x1  }
0xc6: {  	v2 =	vadd.f32 $9.999999710e-10, v2;
	_ =	sdelay $0x1  }
0xc7: {  	(erf) = vrcp.f32 v2;
	_ =	sdelay $0x2  }
0xc8: {  	v2 =	vsel vm3, $0x1, v0  }
0xc9: {  	v2 =	vsel vm4, $0x2, v2  }
0xca: {  	v2 =	vsel vm5, $0x3, v2  }
0xcb: {  	s26 =	simm.s32 $0x0;
	v2 =	vsel vm6, $0x4, v2  }
0xcc: {  	s1 =	sand.u32 $0xFFFFFF00, s26;
	v2 =	vsel vm2, $0x5, v2  }
0xcd: {  	s23 =	sor.u32 s25, s1;
	v2 =	vsel vm1, $0x6, v2  }
0xce: {  	[tilespmem:s23+$0x2800] =	vst v10;
	v2 =	vsel vm7, $0x7, v2;
	v63 =	vpop (erf)  }
0xcf: {  	s30 =	simm.s32 $0x1;
	s0 =	simm.s32 $0x0;
	s1 =	simm.s32 $0x2;
	[tilespmem:s23+$0x2880] =	vst v2;
	v2 =	vmul.f32 v63, v3;
	v1 =	vmul.f32 v63, v1  }
.LBB2_2:
0xd0: {  	s25 =	sshll.u32 s30, $0x7  }
0xd1: {  	s0 =	sadd.s32 $0x10, s0;
	s26 =	smov.u32 s1;
	s24 =	sadd.s32 $0x1, s1  }
0xd2: {  	p0 =	sne.s32 s1, $0x3F;
	s1 =	sand.u32 $0x70, s0;
	s25 =	sand.u32 $0x3FFFFC00, s25;
	[tilespmem:s23+$0x2000] =	vst v2  }
0xd3: {  	s25 =	sor.u32 s1, s25;
	[tilespmem:s23+$0x2080] =	vst v1  }
0xd4: {  	v1 =	vld [tilespmem:s25+$0x0]  }
0xd5: {  	v2 =	vld [tilespmem:s25+$0x80];
	_ =	sdelay $0x1  }
0xd6: {  	v3 =	vld [tilespmem:s25+$0x100];
	_ =	sdelay $0x1  }
0xd7: {  	v4 =	vld [tilespmem:s25+$0x180]  }
0xd8: {  	vm0 =	vgt.f32 v2, v1  }
0xd9: {  	v5 =	vld [tilespmem:s25+$0x200];
	v6 =	vsel vm0, v2, v1  }
0xda: {  	vm1 =	vgt.f32 v3, v6  }
0xdb: {  	v7 =	vld [tilespmem:s25+$0x280];
	v6 =	vsel vm1, v3, v6  }
0xdc: {  	vm2 =	vgt.f32 v4, v6  }
0xdd: {  	v8 =	vld [tilespmem:s25+$0x300];
	v6 =	vsel vm2, v4, v6  }
0xde: {  	vm3 =	vgt.f32 v5, v6  }
0xdf: {  	v10 =	vsel vm0, $0x1, v0;
	v9 =	vld [tilespmem:s25+$0x380];
	v6 =	vsel vm3, v5, v6  }
0xe0: {  	v10 =	vsel vm1, $0x2, v10;
	vm0 =	vgt.f32 v7, v6  }
0xe1: {  	v10 =	vsel vm2, $0x3, v10;
	v6 =	vsel vm0, v7, v6  }
0xe2: {  	v10 =	vsel vm3, $0x4, v10;
	vm1 =	vgt.f32 v8, v6  }
0xe3: {  	v10 =	vsel vm0, $0x5, v10;
	v6 =	vsel vm1, v8, v6  }
0xe4: {  	s23 =	sshll.u32 s30, $0x5;
	s30 =	smov.u32 s26;
	v10 =	vsel vm1, $0x6, v10;
	vm0 =	vgt.f32 v9, v6  }
0xe5: {  	s23 =	sand.u32 $0xFFFFFF00, s23;
	vm0 =	vmneg vm0  }
0xe6: {  	s23 =	sor.u32 s1, s23;
	v6 =	vsel vm0, v6, v9;
	v10 =	vnsel vm0, $0x7, v10;
	vm1 =	vmand vm1, vm0  }
0xe7: {  	vm2 =	veq.s32 v10, $0x0;
	vm3 =	veq.s32 v10, $0x1;
	vm4 =	veq.s32 v10, $0x2;
	[tilespmem:s23+$0x2800] =	vst v10  }
0xe8: {  	vm5 =	veq.s32 v10, $0x4;
	v1 =	vsel vm2, $0xFF800000, v1;
	vm2 =	veq.s32 v10, $0x3  }
0xe9: {  	v2 =	vsel vm3, $0xFF800000, v2;
	vm3 =	veq.s32 v10, $0x5;
	vm6 =	vgt.f32 v1, $-Inf  }
0xea: {  	v1 =	vnsel vm6, $0xFF800000, v1  }
0xeb: {  	v3 =	vsel vm4, $0xFF800000, v3;
	vm6 =	vgt.f32 v2, v1  }
0xec: {  	v1 =	vsel vm6, v2, v1  }
0xed: {  	v2 =	vsel vm2, $0xFF800000, v4;
	vm4 =	vgt.f32 v3, v1  }
0xee: {  	v4 =	vsel vm6, $0x1, v0;
	v1 =	vsel vm4, v3, v1  }
0xef: {  	v3 =	vsel vm4, $0x2, v4;
	v4 =	vsel vm5, $0xFF800000, v5;
	vm2 =	vgt.f32 v2, v1  }
0xf0: {  	v1 =	vsel vm2, v2, v1;
	v2 =	vsel vm2, $0x3, v3  }
0xf1: {  	v3 =	vsel vm3, $0xFF800000, v7;
	vm2 =	vgt.f32 v4, v1  }
0xf2: {  	v1 =	vsel vm2, v4, v1;
	v2 =	vsel vm2, $0x4, v2  }
0xf3: {  	v4 =	vsel vm1, $0xFF800000, v8;
	vm2 =	vgt.f32 v3, v1  }
0xf4: {  	v1 =	vsel vm2, v3, v1  }
0xf5: {  	v3 =	vnsel vm0, $0xFF800000, v9;
	vm1 =	vgt.f32 v4, v1  }
0xf6: {  	v2 =	vsel vm2, $0x5, v2;
	v1 =	vsel vm1, v4, v1  }
0xf7: {  	v2 =	vsel vm1, $0x6, v2;
	vm0 =	vgt.f32 v3, v1  }
0xf8: {  	v1 =	vsel vm0, v3, v1;
	v2 =	vsel vm0, $0x7, v2  }
0xf9: {  	v3 =	vadd.f32 v1, v6;
	[tilespmem:s23+$0x2880] =	vst v2;
	_ =	sdelay $0x1  }
0xfa: {  	v2 =	vadd.f32 $9.999999710e-10, v3;
	_ =	sdelay $0x1  }
0xfb: {  	(erf) = vrcp.f32 v2;
	_ =	sdelay $0x5  }
.Ltmp0:
0xfc: {  	(pc) =	sbr.rel @p0 .LBB2_2-.Ltmp0, $3  }
0xfd: {  	_ =	sdelay $0x1  }
0xfe: {  	v3 =	vpop (erf)  }
0xff: {  	s1 =	smov.u32 s24;
	v2 =	vmul.f32 v3, v6;
	v1 =	vmul.f32 v3, v1  }
0x100: {  	s1 =	sshll.u32 s30, $0x7;
	s0 =	sadd.s32 $0x10, s0  }
0x101: {  	s0 =	sand.u32 $0x70, s0;
	s1 =	sand.u32 $0x3FFFFC00, s1;
	[tilespmem:s23+$0x2000] =	vst v2  }
0x102: {  	[tilespmem:s23+$0x2080] =	vst v1;
	s1 =	sor.u32 s0, s1  }
0x103: {  	v1 =	vld [tilespmem:s1+$0x0]  }
0x104: {  	v2 =	vld [tilespmem:s1+$0x80];
	_ =	sdelay $0x1  }
0x105: {  	v3 =	vld [tilespmem:s1+$0x100];
	_ =	sdelay $0x1  }
0x106: {  	v4 =	vld [tilespmem:s1+$0x180]  }
0x107: {  	vm0 =	vgt.f32 v2, v1  }
0x108: {  	v5 =	vld [tilespmem:s1+$0x200];
	v6 =	vsel vm0, v2, v1  }
0x109: {  	vm1 =	vgt.f32 v3, v6  }
0x10a: {  	v7 =	vld [tilespmem:s1+$0x280];
	v6 =	vsel vm1, v3, v6  }
0x10b: {  	vm2 =	vgt.f32 v4, v6  }
0x10c: {  	v8 =	vld [tilespmem:s1+$0x300];
	v6 =	vsel vm2, v4, v6  }
0x10d: {  	vm3 =	vgt.f32 v5, v6  }
0x10e: {  	v9 =	vld [tilespmem:s1+$0x380];
	v6 =	vsel vm3, v5, v6  }
0x10f: {  	v10 =	vsel vm0, $0x1, v0;
	vm7 =	vgt.f32 v7, v6  }
0x110: {  	v10 =	vsel vm1, $0x2, v10;
	v6 =	vsel vm7, v7, v6  }
0x111: {  	v10 =	vsel vm2, $0x3, v10;
	vm1 =	vgt.f32 v8, v6  }
0x112: {  	v10 =	vsel vm3, $0x4, v10;
	v6 =	vsel vm1, v8, v6  }
0x113: {  	v10 =	vsel vm7, $0x5, v10;
	vm8 =	vgt.f32 v9, v6  }
0x114: {  	v10 =	vsel vm1, $0x6, v10;
	vm0 =	vmneg vm8  }
0x115: {  	v10 =	vnsel vm0, $0x7, v10  }
0x116: {  	vm9 =	veq.s32 v10, $0x0  }
0x117: {  	v1 =	vsel vm9, $0xFF800000, v1  }
0x118: {  	vm10 =	veq.s32 v10, $0x1;
	vm11 =	vgt.f32 v1, $-Inf  }
0x119: {  	v2 =	vsel vm10, $0xFF800000, v2;
	v1 =	vnsel vm11, $0xFF800000, v1  }
0x11a: {  	vm12 =	veq.s32 v10, $0x2;
	vm3 =	vgt.f32 v2, v1  }
0x11b: {  	v3 =	vsel vm12, $0xFF800000, v3;
	v1 =	vsel vm3, v2, v1  }
0x11c: {  	vm13 =	veq.s32 v10, $0x3;
	vm4 =	vgt.f32 v3, v1  }
0x11d: {  	v2 =	vsel vm13, $0xFF800000, v4;
	v1 =	vsel vm4, v3, v1  }
0x11e: {  	vm14 =	veq.s32 v10, $0x4;
	vm5 =	vgt.f32 v2, v1  }
0x11f: {  	v3 =	vsel vm14, $0xFF800000, v5;
	v1 =	vsel vm5, v2, v1  }
0x120: {  	vm15 =	veq.s32 v10, $0x5;
	vm6 =	vgt.f32 v3, v1  }
0x121: {  	v2 =	vsel vm15, $0xFF800000, v7;
	v1 =	vsel vm6, v3, v1  }
0x122: {  	vm1 =	vmand vm1, vm0;
	vm2 =	vgt.f32 v2, v1  }
0x123: {  	v3 =	vsel vm1, $0xFF800000, v8;
	v1 =	vsel vm2, v2, v1  }
0x124: {  	vm1 =	vgt.f32 v3, v1  }
0x125: {  	v2 =	vnsel vm0, $0xFF800000, v9;
	v1 =	vsel vm1, v3, v1  }
0x126: {  	vm7 =	vgt.f32 v2, v1  }
0x127: {  	v3 =	vsel vm0, v6, v9;
	v1 =	vsel vm7, v2, v1  }
0x128: {  	v2 =	vadd.f32 v1, v3;
	_ =	sdelay $0x1  }
0x129: {  	v2 =	vadd.f32 $9.999999710e-10, v2;
	_ =	sdelay $0x1  }
0x12a: {  	(erf) = vrcp.f32 v2;
	_ =	sdelay $0x3  }
0x12b: {  	v2 =	vsel vm3, $0x1, v0  }
0x12c: {  	v2 =	vsel vm4, $0x2, v2  }
0x12d: {  	v2 =	vsel vm5, $0x3, v2  }
0x12e: {  	s24 =	sshll.u32 s30, $0x5;
	v2 =	vsel vm6, $0x4, v2  }
0x12f: {  	s1 =	sand.u32 $0xFFFFFF00, s24;
	v2 =	vsel vm2, $0x5, v2  }
0x130: {  	s0 =	sor.u32 s0, s1;
	v2 =	vsel vm1, $0x6, v2;
	v63 =	vpop (erf)  }
0x131: {  	[tilespmem:s0+$0x2800] =	vst v10;
	v2 =	vsel vm7, $0x7, v2;
	v3 =	vmul.f32 v63, v3  }
0x132: {  	[tilespmem:s0+$0x2880] =	vst v2;
	v1 =	vmul.f32 v63, v1  }
0x133: {  	[tilespmem:s0+$0x2000] =	vst v3  }
0x134: {  	s25 =	simm.s32 $0x2000;
	[tilespmem:s0+$0x2080] =	vst v1  }
0x135: {  	[hbm4b:s11+s2] =	stream.linear.scatter [tilespmem:s25], [sflag:$0x1], $0x80, $0x38;
	[tilespmem:$0x3000] =	vst v63  }
0x136: {  	s26 =	sadd.s32 $0x20, s11;
	s30 =	simm.s32 $0x2100  }
0x137: {  	[hbm4b:s26+s2] =	stream.linear.scatter [tilespmem:s30], [sflag:$0x1], $0x80, $0x38;
	[tilespmem:$0x3000] =	vst v63  }
0x138: {  	s23 =	simm.s32 $0x2200;
	s1 =	sadd.s32 $0x40, s11  }
0x139: {  	[hbm4b:s1+s2] =	stream.linear.scatter [tilespmem:s23], [sflag:$0x1], $0x80, $0x38;
	[tilespmem:$0x3000] =	vst v63  }
0x13a: {  	s24 =	sadd.s32 $0x60, s11;
	s25 =	simm.s32 $0x2300  }
0x13b: {  	[hbm4b:s24+s2] =	stream.linear.scatter [tilespmem:s25], [sflag:$0x1], $0x80, $0x38;
	[tilespmem:$0x3000] =	vst v63  }
0x13c: {  	s26 =	sadd.s32 $0x80, s11;
	s30 =	simm.s32 $0x2400  }
0x13d: {  	[hbm4b:s26+s2] =	stream.linear.scatter [tilespmem:s30], [sflag:$0x1], $0x80, $0x38;
	[tilespmem:$0x3000] =	vst v63  }
0x13e: {  	s1 =	sadd.s32 $0xA0, s11;
	s23 =	simm.s32 $0x2500  }
0x13f: {  	[hbm4b:s1+s2] =	stream.linear.scatter [tilespmem:s23], [sflag:$0x1], $0x80, $0x38;
	[tilespmem:$0x3000] =	vst v63  }
0x140: {  	s24 =	sadd.s32 $0xC0, s11;
	s25 =	simm.s32 $0x2600  }
0x141: {  	[hbm4b:s24+s2] =	stream.linear.scatter [tilespmem:s25], [sflag:$0x1], $0x80, $0x38;
	[tilespmem:$0x3000] =	vst v63  }
0x142: {  	s26 =	sadd.s32 $0xE0, s11;
	s30 =	simm.s32 $0x2700  }
0x143: {  	[hbm4b:s26+s2] =	stream.linear.scatter [tilespmem:s30], [sflag:$0x1], $0x80, $0x38;
	[tilespmem:$0x3000] =	vst v63  }
0x144: {  	_ =	swait.ge [sflag:s31], $0x400  }
0x145: {  	[sflag:s31] =	ssyncset.done $0x0  }
0x146: {  	s23 =	simm.s32 $0x2800;
	[sflag:s31] =	ssyncadd.s32 $0xFFFFFC00  }
0x147: {  	[hbm4b:s12+s2] =	stream.linear.scatter [tilespmem:s23], [sflag:$0x1], $0x80, $0x38;
	[tilespmem:$0x3000] =	vst v63  }
0x148: {  	s24 =	sadd.s32 $0x20, s12;
	s25 =	simm.s32 $0x2900  }
0x149: {  	[hbm4b:s24+s2] =	stream.linear.scatter [tilespmem:s25], [sflag:$0x1], $0x80, $0x38;
	[tilespmem:$0x3000] =	vst v63  }
0x14a: {  	s26 =	sadd.s32 $0x40, s12;
	s30 =	simm.s32 $0x2A00  }
0x14b: {  	[hbm4b:s26+s2] =	stream.linear.scatter [tilespmem:s30], [sflag:$0x1], $0x80, $0x38;
	[tilespmem:$0x3000] =	vst v63  }
0x14c: {  	s1 =	sadd.s32 $0x60, s12;
	s23 =	simm.s32 $0x2B00  }
0x14d: {  	[hbm4b:s1+s2] =	stream.linear.scatter [tilespmem:s23], [sflag:$0x1], $0x80, $0x38;
	[tilespmem:$0x3000] =	vst v63  }
0x14e: {  	s24 =	sadd.s32 $0x80, s12;
	s25 =	simm.s32 $0x2C00  }
0x14f: {  	[hbm4b:s24+s2] =	stream.linear.scatter [tilespmem:s25], [sflag:$0x1], $0x80, $0x38;
	[tilespmem:$0x3000] =	vst v63  }
0x150: {  	s26 =	sadd.s32 $0xA0, s12;
	s30 =	simm.s32 $0x2D00  }
0x151: {  	[hbm4b:s26+s2] =	stream.linear.scatter [tilespmem:s30], [sflag:$0x1], $0x80, $0x38;
	[tilespmem:$0x3000] =	vst v63  }
0x152: {  	s23 =	sadd.s32 $0xC0, s12;
	s24 =	simm.s32 $0x2E00  }
0x153: {  	[hbm4b:s23+s2] =	stream.linear.scatter [tilespmem:s24], [sflag:$0x1], $0x80, $0x38;
	[tilespmem:$0x3000] =	vst v63  }
0x154: {  	s25 =	sadd.s32 $0xE0, s12;
	s26 =	simm.s32 $0x2F00  }
0x155: {  	[hbm4b:s25+s2] =	stream.linear.scatter [tilespmem:s26], [sflag:$0x1], $0x80, $0x38;
	[tilespmem:$0x3000] =	vst v63  }
0x156: {  	_ =	swait.ge [sflag:s31], $0x400  }
0x157: {  	[sflag:s31] =	ssyncset.done $0x0  }
0x158: {  	s30 =	simm.s32 $0x2080;
	[sflag:s31] =	ssyncadd.s32 $0xFFFFFC00  }
0x159: {  	[hbm4b:s13+s2] =	stream.linear.scatter [tilespmem:s30], [sflag:$0x1], $0x80, $0x38;
	[tilespmem:$0x3000] =	vst v63  }
0x15a: {  	s1 =	sadd.s32 $0x20, s13;
	s23 =	simm.s32 $0x2180  }
0x15b: {  	[hbm4b:s1+s2] =	stream.linear.scatter [tilespmem:s23], [sflag:$0x1], $0x80, $0x38;
	[tilespmem:$0x3000] =	vst v63  }
0x15c: {  	s24 =	sadd.s32 $0x40, s13;
	s25 =	simm.s32 $0x2280  }
0x15d: {  	[hbm4b:s24+s2] =	stream.linear.scatter [tilespmem:s25], [sflag:$0x1], $0x80, $0x38;
	[tilespmem:$0x3000] =	vst v63  }
0x15e: {  	s26 =	sadd.s32 $0x60, s13;
	s30 =	simm.s32 $0x2380  }
0x15f: {  	[hbm4b:s26+s2] =	stream.linear.scatter [tilespmem:s30], [sflag:$0x1], $0x80, $0x38;
	[tilespmem:$0x3000] =	vst v63  }
0x160: {  	s1 =	sadd.s32 $0x80, s13;
	s23 =	simm.s32 $0x2480  }
0x161: {  	[hbm4b:s1+s2] =	stream.linear.scatter [tilespmem:s23], [sflag:$0x1], $0x80, $0x38;
	[tilespmem:$0x3000] =	vst v63  }
0x162: {  	s24 =	sadd.s32 $0xA0, s13;
	s25 =	simm.s32 $0x2580  }
0x163: {  	[hbm4b:s24+s2] =	stream.linear.scatter [tilespmem:s25], [sflag:$0x1], $0x80, $0x38;
	[tilespmem:$0x3000] =	vst v63  }
0x164: {  	s26 =	sadd.s32 $0xC0, s13;
	s30 =	simm.s32 $0x2680  }
0x165: {  	[hbm4b:s26+s2] =	stream.linear.scatter [tilespmem:s30], [sflag:$0x1], $0x80, $0x38;
	[tilespmem:$0x3000] =	vst v63  }
0x166: {  	s23 =	sadd.s32 $0xE0, s13;
	s24 =	simm.s32 $0x2780  }
0x167: {  	[hbm4b:s23+s2] =	stream.linear.scatter [tilespmem:s24], [sflag:$0x1], $0x80, $0x38;
	[tilespmem:$0x3000] =	vst v63  }
0x168: {  	_ =	swait.ge [sflag:s31], $0x400  }
0x169: {  	[sflag:s31] =	ssyncset.done $0x0  }
0x16a: {  	s25 =	simm.s32 $0x2880;
	[sflag:s31] =	ssyncadd.s32 $0xFFFFFC00  }
0x16b: {  	[hbm4b:s14+s2] =	stream.linear.scatter [tilespmem:s25], [sflag:$0x1], $0x80, $0x38;
	[tilespmem:$0x3000] =	vst v63  }
0x16c: {  	s26 =	sadd.s32 $0x20, s14;
	s30 =	simm.s32 $0x2980  }
0x16d: {  	[hbm4b:s26+s2] =	stream.linear.scatter [tilespmem:s30], [sflag:$0x1], $0x80, $0x38;
	[tilespmem:$0x3000] =	vst v63  }
0x16e: {  	s1 =	sadd.s32 $0x40, s14;
	s23 =	simm.s32 $0x2A80  }
0x16f: {  	[hbm4b:s1+s2] =	stream.linear.scatter [tilespmem:s23], [sflag:$0x1], $0x80, $0x38;
	[tilespmem:$0x3000] =	vst v63  }
0x170: {  	s24 =	sadd.s32 $0x60, s14;
	s25 =	simm.s32 $0x2B80  }
0x171: {  	[hbm4b:s24+s2] =	stream.linear.scatter [tilespmem:s25], [sflag:$0x1], $0x80, $0x38;
	[tilespmem:$0x3000] =	vst v63  }
0x172: {  	s26 =	sadd.s32 $0x80, s14;
	s30 =	simm.s32 $0x2C80  }
0x173: {  	[hbm4b:s26+s2] =	stream.linear.scatter [tilespmem:s30], [sflag:$0x1], $0x80, $0x38;
	[tilespmem:$0x3000] =	vst v63  }
0x174: {  	s29 =	sadd.s32 $0x1, s29;
	s23 =	sadd.s32 $0xA0, s14;
	s24 =	simm.s32 $0x2D80  }
0x175: {  	[hbm4b:s23+s2] =	stream.linear.scatter [tilespmem:s24], [sflag:$0x1], $0x80, $0x38;
	[tilespmem:$0x3000] =	vst v63  }
0x176: {  	p0 =	sne.s32 s29, s15;
	s25 =	sadd.s32 $0xC0, s14;
	s26 =	simm.s32 $0x2E80  }
0x177: {  	[hbm4b:s25+s2] =	stream.linear.scatter [tilespmem:s26], [sflag:$0x1], $0x80, $0x38;
	[tilespmem:$0x3000] =	vst v63  }
.Ltmp1:
0x178: {  	s30 =	sadd.s32 $0xE0, s14;
	(pc) =	sbr.rel @p0 .LBB2_1-.Ltmp1, $4  }
0x179: {  	[hbm4b:s30+s2] =	stream.linear.scatter [tilespmem:s28], [sflag:$0x1], $0x80, $0x38;
	[tilespmem:$0x3000] =	vst v63  }
0x17a: {  	_ =	swait.ge [sflag:s31], $0x400  }
0x17b: {  	[sflag:s31] =	ssyncset.done $0x0  }
0x17c: {  	[sflag:s31] =	ssyncadd.s32 $0xFFFFFC00  }
0x17d: {  	_ =	sfence.sel $0x180000  }
0x17e: {  	[bflag:$0x0] =	sbarrier.arrive $0xFFFF  }
0x17f: {  	_ =	strace $0x90000047  }
0x180: {  	s0 =	stileid.u32;
	[bflag:$0x2] =	sbarrier.arrive $0xFFFF  }
0x181: {  	p0 =	sne.s32 s0, $0x0;
	s0 =	rddreg [dreg:$0x3]  }
0x182: {  	s0 =	sadd.s32 @!p0 $0x100000, s0  }
0x183: {  	[sflag:s0] =	ssyncadd.tile.s32 @!p0 $0x1;
	_ =	shalt  }
.Lfunc_end2:
_tile_overlayer_lowered:
.L_overlay_start_2:
0x184: {  	(tag) =	ssettag $0x2  }
0x185: {  	s0 =	rddreg [dreg:$0x0];
	s2 =	stileid.u32  }
0x186: {  	s1 =	rddreg [dreg:$0x1];
	p0 =	sne.s32 s2, $0x0  }
0x187: {  	s3 =	rddreg [dreg:$0x2];
	[bflag:$0x3] =	sbarrier.arrive $0xFFFF;
	s2 =	simm.s32 @!p0 $0x1C01  }
0x188: {  	[timem:s3], [sflag:s2] =	dma.local @!p0 [hbm:s0], s1  }
0x189: {  	s0 =	simm.s32 @!p0 $0x1  }
0x18a: {  	_ =	swait.ge @!p0 [sflag:s0], s1  }
0x18b: {  	s1 =	ssub.s32 @!p0 $0x0, s1;
	[sflag:s0] =	ssyncset.done @!p0 $0x0  }
0x18c: {  	[sflag:s0] =	ssyncadd.s32 @!p0 s1  }
0x18d: {  	[bflag:$0x3] =	sbarrier.arrive $0xFFFF  }
0x18e: {  	_ =	shalt  }

</sc_bundles>
